<compile_context>
chip_gen: v7x
topology: tpu7x:2x2x1
jax: 0.10.2.dev20260603
libtpu: 0.0.44.dev20260713+nightly
codegen_flags: <defaults>
</compile_context>

<pallas_src>
import functools

import jax
import jax.numpy as jnp
from jax import lax
from jax.experimental import pallas as pl
from jax.experimental.pallas import tpu as pltpu
from jax.experimental.pallas import tpu_sc as plsc

N = 50000
C = 16
E = 1600000
K = 10
ALPHA = 0.1
NGEN = 10000
NBATCH = 5

NP = 50176
NPT = NP // 16
UC = NPT // 14
NUC = 14

ERP = 12544
EP = ERP * 128
RPT = ERP // 16

_f32 = jnp.float32
_i32 = jnp.int32


_RPW = ERP // 32


def _deg_body(dst_ref, out_ref, sp_deg, dstb, ones_buf, zbuf):
    c = lax.axis_index("c")
    s = lax.axis_index("s")
    wg = c * 16 + s
    nbase = s * NPT
    zeros16 = jnp.zeros((16,), _f32)
    ones16 = jnp.ones((16,), _f32)

    @pl.loop(0, UC)
    def _zz(i):
        zbuf[i, :] = zeros16

    @pl.loop(0, 128)
    def _zo(i):
        ones_buf[i, :] = ones16

    @pl.loop(0, NUC)
    def _zs(ci):
        pltpu.sync_copy(zbuf, sp_deg.at[pl.ds(nbase + ci * UC, UC)])

    plsc.subcore_barrier()

    def _edge_block(row0, nrows):
        pltpu.sync_copy(dst_ref.at[pl.ds(row0, nrows)], dstb.at[pl.ds(0, nrows)])

        @pl.loop(0, nrows)
        def _j(j):
            pltpu.sync_copy(ones_buf, sp_deg.at[dstb.at[j]], add=True)

    row_base = wg * _RPW

    @pl.loop(0, 24)
    def _b(bi):
        _edge_block(row_base + bi * 16, 16)

    _edge_block(row_base + 24 * 16, 8)
    plsc.subcore_barrier()
    pltpu.sync_copy(sp_deg.at[pl.ds(nbase, NPT)],
                    out_ref.at[c, pl.ds(nbase, NPT)])


_SC_PARAMS = pltpu.CompilerParams(use_tc_tiling_on_sc=False)

_deg_call = pl.kernel(
    _deg_body,
    out_type=jax.ShapeDtypeStruct((2, NP, C), _f32),
    mesh=plsc.VectorSubcoreMesh(core_axis_name="c", subcore_axis_name="s"),
    compiler_params=_SC_PARAMS,
    scratch_types=[
        pltpu.VMEM_SHARED((NP, C), _f32),
        pltpu.VMEM((16, 128), _i32),
        pltpu.VMEM((128, C), _f32),
        pltpu.VMEM((UC, C), _f32),
    ],
)


def _prep_body(x_ref, emb_ref, bias_ref, degp_ref, w1_ref, b1_ref, w2_ref,
               b2_ref, t0_ref, q_ref, g_ref, sc_ref):
    h = emb_ref[...] * x_ref[...] + bias_ref[...]
    h = lax.dot_general(h, w1_ref[...], (((1,), (1,)), ((), ())),
                        preferred_element_type=_f32) + b1_ref[...]
    h = jnp.maximum(h, 0.0)
    h = lax.dot_general(h, w2_ref[...], (((1,), (1,)), ((), ())),
                        preferred_element_type=_f32) + b2_ref[...]
    deg = degp_ref[:, 0:1] + degp_ref[:, 1:2] + 1.0
    dinv = lax.rsqrt(deg)
    sq = dinv * deg
    t0_ref[...] = dinv * h
    q_ref[...] = (ALPHA / (1.0 - ALPHA)) * h * sq
    g_ref[...] = jnp.broadcast_to((1.0 - ALPHA) * dinv * dinv, h.shape)
    sc_ref[...] = jnp.broadcast_to(sq * (1.0 / NGEN), h.shape)


_PREP_BLK = 2000

_prep_call = pl.pallas_call(
    _prep_body,
    grid=(N // _PREP_BLK,),
    in_specs=[
        pl.BlockSpec((_PREP_BLK, 1), lambda i: (i, 0)),
        pl.BlockSpec((_PREP_BLK, C), lambda i: (i % 5, 0)),
        pl.BlockSpec((_PREP_BLK, 1), lambda i: (i % 5, 0)),
        pl.BlockSpec((_PREP_BLK, 2), lambda i: (i, 0)),
        pl.BlockSpec((C, C), lambda i: (0, 0)),
        pl.BlockSpec((1, C), lambda i: (0, 0)),
        pl.BlockSpec((C, C), lambda i: (0, 0)),
        pl.BlockSpec((1, C), lambda i: (0, 0)),
    ],
    out_specs=[
        pl.BlockSpec((_PREP_BLK, C), lambda i: (i, 0)),
        pl.BlockSpec((_PREP_BLK, C), lambda i: (i, 0)),
        pl.BlockSpec((_PREP_BLK, C), lambda i: (i, 0)),
        pl.BlockSpec((_PREP_BLK, C), lambda i: (i, 0)),
    ],
    out_shape=[
        jax.ShapeDtypeStruct((N, C), _f32),
        jax.ShapeDtypeStruct((N, C), _f32),
        jax.ShapeDtypeStruct((N, C), _f32),
        jax.ShapeDtypeStruct((N, C), _f32),
    ],
)


def _main_body(src_ref, dst_ref, t0_ref, q_ref, g_ref, sc_ref, out_ref,
               pool_ref, sp_t, sp_s, srcb, dstb, rows_buf,
               s_chunk, t_chunk, g_chunk, acc, pool_tmp, gsem, ssem, isem):
    w = lax.axis_index("s")
    nbase = w * NPT
    row_base = w * RPT
    zeros16 = jnp.zeros((16,), _f32)

    @pl.loop(0, 8)
    def _za(i):
        acc[i, :] = zeros16

    @pl.loop(0, NUC)
    def _stage(ci):
        r0 = nbase + ci * UC
        pltpu.sync_copy(t0_ref.at[pl.ds(r0, UC)], t_chunk)
        pltpu.sync_copy(t_chunk, sp_t.at[pl.ds(r0, UC)])
        pltpu.sync_copy(q_ref.at[pl.ds(r0, UC)], s_chunk)
        pltpu.sync_copy(s_chunk, sp_s.at[pl.ds(r0, UC)])

    plsc.subcore_barrier()

    def _wait_gather(b):
        pltpu.make_async_copy(sp_t.at[srcb.at[0, 0]], rows_buf.at[b],
                              gsem.at[b]).wait()

    def _wait_scatter(b):
        pltpu.make_async_copy(rows_buf.at[b], sp_s.at[dstb.at[0, 0]],
                              ssem.at[b]).wait()

    def _wait_idx():
        pltpu.make_async_copy(src_ref.at[pl.ds(0, 16)], srcb.at[0], isem).wait()
        pltpu.make_async_copy(dst_ref.at[pl.ds(0, 16)], dstb.at[0], isem).wait()

    @pl.loop(0, K)
    def _k(k):
        pltpu.sync_copy(src_ref.at[pl.ds(row_base, 16)], srcb.at[0])
        pltpu.sync_copy(dst_ref.at[pl.ds(row_base, 16)], dstb.at[0])
        pltpu.async_copy(src_ref.at[pl.ds(row_base + 16, 16)], srcb.at[1], isem)
        pltpu.async_copy(dst_ref.at[pl.ds(row_base + 16, 16)], dstb.at[1], isem)
        pltpu.async_copy(sp_t.at[srcb.at[0, 0]], rows_buf.at[0], gsem.at[0])
        pltpu.async_copy(sp_t.at[srcb.at[0, 1]], rows_buf.at[1], gsem.at[1])

        @pl.loop(0, RPT)
        def _j(j):
            b = lax.rem(j, 4)
            blk = lax.div(j, 16)
            jj = lax.rem(j, 16)
            pp = lax.rem(blk, 2)
            _wait_gather(b)
            pltpu.async_copy(rows_buf.at[b], sp_s.at[dstb.at[pp, jj]],
                             ssem.at[b], add=True)

            @pl.when(jnp.logical_and(jj == 2, j < 771))
            def _issue_idx():
                pn = lax.rem(blk + 1, 2)
                r0n = row_base + (blk + 1) * 16
                pltpu.async_copy(src_ref.at[pl.ds(r0n, 16)], srcb.at[pn], isem)
                pltpu.async_copy(dst_ref.at[pl.ds(r0n, 16)], dstb.at[pn], isem)

            @pl.when(jnp.logical_and(jj == 14, j < 768))
            def _drain_idx():
                _wait_idx()

            @pl.when(j < RPT - 2)
            def _issue_gather():
                j2 = j + 2
                b2 = lax.rem(j2, 4)

                @pl.when(j >= 2)
                def _free_buf():
                    _wait_scatter(b2)

                pltpu.async_copy(
                    sp_t.at[srcb.at[lax.rem(lax.div(j2, 16), 2),
                                    lax.rem(j2, 16)]],
                    rows_buf.at[b2], gsem.at[b2])

        _wait_scatter(0)
        _wait_scatter(1)
        _wait_scatter(2)
        _wait_scatter(3)
        plsc.subcore_barrier()

        @pl.loop(0, NUC)
        def _u(ci):
            r0 = nbase + ci * UC
            pltpu.sync_copy(sp_s.at[pl.ds(r0, UC)], s_chunk)
            pltpu.sync_copy(sp_t.at[pl.ds(r0, UC)], t_chunk)
            pltpu.sync_copy(g_ref.at[pl.ds(r0, UC)], g_chunk)

            @pl.loop(0, UC)
            def _r(i):
                t_chunk[i, :] = g_chunk[i, :] * (s_chunk[i, :] + t_chunk[i, :])

            pltpu.sync_copy(t_chunk, sp_t.at[pl.ds(r0, UC)])
            pltpu.sync_copy(q_ref.at[pl.ds(r0, UC)], s_chunk)
            pltpu.sync_copy(s_chunk, sp_s.at[pl.ds(r0, UC)])

        plsc.subcore_barrier()

    @pl.loop(0, NUC)
    def _p(ci):
        r0 = nbase + ci * UC
        pltpu.sync_copy(sp_t.at[pl.ds(r0, UC)], t_chunk)
        pltpu.sync_copy(sc_ref.at[pl.ds(r0, UC)], g_chunk)

        @pl.loop(0, UC)
        def _pr(i):
            b = lax.div(r0 + i, NGEN)
            acc[b, :] = acc[b, :] + t_chunk[i, :] * g_chunk[i, :]

    pltpu.sync_copy(acc, pool_ref.at[w])
    plsc.subcore_barrier()

    @pl.when(w == 0)
    def _out():
        @pl.loop(1, 16)
        def _pj(j):
            pltpu.sync_copy(pool_ref.at[j], pool_tmp)

            @pl.loop(0, 8)
            def _pa(i):
                acc[i, :] = acc[i, :] + pool_tmp[i, :]

        pltpu.sync_copy(acc.at[pl.ds(0, NBATCH)], out_ref)


_main_call = pl.kernel(
    _main_body,
    out_type=(jax.ShapeDtypeStruct((NBATCH, C), _f32),
              jax.ShapeDtypeStruct((16, 8, C), _f32)),
    mesh=plsc.VectorSubcoreMesh(core_axis_name="c", subcore_axis_name="s",
                                num_cores=1),
    compiler_params=_SC_PARAMS,
    scratch_types=[
        pltpu.VMEM_SHARED((NP, C), _f32),
        pltpu.VMEM_SHARED((NP, C), _f32),
        pltpu.VMEM((2, 16, 128), _i32),
        pltpu.VMEM((2, 16, 128), _i32),
        pltpu.VMEM((4, 128, C), _f32),
        pltpu.VMEM((UC, C), _f32),
        pltpu.VMEM((UC, C), _f32),
        pltpu.VMEM((UC, C), _f32),
        pltpu.VMEM((8, C), _f32),
        pltpu.VMEM((8, C), _f32),
        pltpu.SemaphoreType.DMA((4,)),
        pltpu.SemaphoreType.DMA((4,)),
        pltpu.SemaphoreType.DMA,
    ],
)


def kernel(x, edge_index, batch, exp_embedding, exp_bias, W1, b1, W2, b2):
    del batch
    pad_idx = jnp.full((EP - E,), NP - 1, _i32)
    src2d = jnp.concatenate([edge_index[0], pad_idx]).reshape(ERP, 128)
    dst2d = jnp.concatenate([edge_index[1], pad_idx]).reshape(ERP, 128)
    deg2 = _deg_call(dst2d)
    degp = jnp.stack([deg2[0, :N, 0], deg2[1, :N, 0]], axis=1)
    t0, q, g, sc = _prep_call(x, exp_embedding, exp_bias, degp, W1,
                              b1.reshape(1, C), W2, b2.reshape(1, C))
    pad2 = ((0, NP - N), (0, 0))
    t0p = jnp.pad(t0, pad2)
    qp = jnp.pad(q, pad2)
    gp = jnp.pad(g, pad2)
    scp = jnp.pad(sc, pad2)
    pooled, _ = _main_call(src2d, dst2d, t0p, qp, gp, scp)
    return pooled

# --- scband reference (transcript-rebuilt; emitter-appended) ---
"""Pipeline reference for scband-simple-gcn-appnp-35656818491450 (READ-ONLY COPY).

The authoritative reference and input builder live on the scoring server;
editing this copy changes nothing except your own understanding.
"""

import jax, jax.numpy as jnp
import numpy as np

NUM_GENES = 10000
NUM_CLASS = 16
BATCH_SIZE = 5
N = NUM_GENES * BATCH_SIZE
E = 1600000
K = 10
ALPHA = 0.1


def setup_inputs(seed: int = 0) -> dict:
    key = jax.random.key(seed)
    ks = jax.random.split(key, 9)
    x = jax.random.normal(ks[0], (N, 1), dtype=jnp.float32)
    edge_index = jax.random.randint(ks[1], (2, E), 0, N, dtype=jnp.int32)
    batch = jnp.repeat(jnp.arange(BATCH_SIZE, dtype=jnp.int32), NUM_GENES)
    exp_embedding = jax.random.normal(ks[2], (NUM_GENES, NUM_CLASS), dtype=jnp.float32) * 0.02
    exp_bias = jax.random.normal(ks[3], (NUM_GENES, 1), dtype=jnp.float32) * 0.02
    lim = 1.0 / np.sqrt(NUM_CLASS)
    W1 = jax.random.uniform(ks[4], (NUM_CLASS, NUM_CLASS), jnp.float32, -lim, lim)
    b1 = jax.random.uniform(ks[5], (NUM_CLASS,), jnp.float32, -lim, lim)
    W2 = jax.random.uniform(ks[6], (NUM_CLASS, NUM_CLASS), jnp.float32, -lim, lim)
    b2 = jax.random.uniform(ks[7], (NUM_CLASS,), jnp.float32, -lim, lim)
    return {"x": x, "edge_index": edge_index, "batch": batch,
            "exp_embedding": exp_embedding, "exp_bias": exp_bias,
            "W1": W1, "b1": b1, "W2": W2, "b2": b2}


def reference(x, edge_index, batch, exp_embedding, exp_bias, W1, b1, W2, b2):
    # embedding lookup: node_index = range(num_genes) tiled batch_size times
    node_index = jnp.tile(jnp.arange(NUM_GENES, dtype=jnp.int32), BATCH_SIZE)
    h = exp_embedding[node_index] * x  # [N, C] broadcast with x [N,1]
    h = h + exp_bias[node_index]
    # dropout is identity in eval mode
    h = jax.nn.relu(h @ W1.T + b1)
    h = h @ W2.T + b2
    # APPNP propagation with self loops and symmetric GCN normalization
    loop = jnp.arange(N, dtype=jnp.int32)
    src = jnp.concatenate([edge_index[0], loop])
    dst = jnp.concatenate([edge_index[1], loop])
    deg = jax.ops.segment_sum(jnp.ones(src.shape[0], jnp.float32), dst, num_segments=N)
    dinv = jnp.where(deg > 0, 1.0 / jnp.sqrt(deg), 0.0)
    norm = dinv[src] * dinv[dst]
    h0 = h
    out = h
    for _ in range(K):
        msg = norm[:, None] * out[src]
        agg = jax.ops.segment_sum(msg, dst, num_segments=N)
        out = ALPHA * h0 + (1.0 - ALPHA) * agg
    # gap = global mean pool over batch assignment
    sums = jax.ops.segment_sum(out, batch, num_segments=BATCH_SIZE)
    cnts = jax.ops.segment_sum(jnp.ones((N,), jnp.float32), batch, num_segments=BATCH_SIZE)
    return sums / cnts[:, None]

if __name__ == "__main__":
    import jax
    _d = setup_inputs()
    print(jax.jit(kernel)(*tuple(_d.values())))

</pallas_src>

<mosaic_0001>
#map = affine_map<(d0, d1) -> (0, 0)>
#map1 = affine_map<(d0, d1) -> (0, 0, 0)>
module attributes {stable_mosaic.version = 14 : i64} {
  func.func @_main_body(%arg0: i32, %arg1: i32, %arg2: memref<12544x128xi32, #tpu.memory_space<hbm>>, %arg3: memref<12544x128xi32, #tpu.memory_space<hbm>>, %arg4: memref<50176x16xf32, #tpu.memory_space<hbm>>, %arg5: memref<50176x16xf32, #tpu.memory_space<hbm>>, %arg6: memref<50176x16xf32, #tpu.memory_space<hbm>>, %arg7: memref<50176x16xf32, #tpu.memory_space<hbm>>, %arg8: memref<5x16xf32, #tpu.memory_space<hbm>>, %arg9: memref<16x8x16xf32, #tpu.memory_space<hbm>>, %arg10: memref<50176x16xf32, #tpu.memory_space<vmem_shared>>, %arg11: memref<50176x16xf32, #tpu.memory_space<vmem_shared>>, %arg12: memref<2x16x128xi32, #tpu.memory_space<vmem>>, %arg13: memref<2x16x128xi32, #tpu.memory_space<vmem>>, %arg14: memref<4x128x16xf32, #tpu.memory_space<vmem>>, %arg15: memref<224x16xf32, #tpu.memory_space<vmem>>, %arg16: memref<224x16xf32, #tpu.memory_space<vmem>>, %arg17: memref<224x16xf32, #tpu.memory_space<vmem>>, %arg18: memref<8x16xf32, #tpu.memory_space<vmem>>, %arg19: memref<8x16xf32, #tpu.memory_space<vmem>>, %arg20: memref<4x!tpu.dma_semaphore, #tpu.memory_space<semaphore_mem>>, %arg21: memref<4x!tpu.dma_semaphore, #tpu.memory_space<semaphore_mem>>, %arg22: memref<!tpu.dma_semaphore, #tpu.memory_space<semaphore_mem>>) attributes {dimension_semantics = [#tpu.dimension_semantics<core_parallel>, #tpu.dimension_semantics<subcore_parallel>], iteration_bounds = array<i64: 1, 16>, scalar_prefetch = 0 : i64, scratch_operands = 13 : i64, tpu.core_type = #tpu.core_type<sc_vector_subcore>, window_params = [{transform_indices = #map}, {transform_indices = #map}, {transform_indices = #map}, {transform_indices = #map}, {transform_indices = #map}, {transform_indices = #map}, {transform_indices = #map}, {transform_indices = #map1}]} {
    %mul3A = arith.constant 3136 : i32
    %mul3A_0 = arith.muli %arg1, %mul3A : i32
    %mul3A_1 = arith.constant 784 : i32
    %mul3A_2 = arith.muli %arg1, %mul3A_1 : i32
    %broadcast_in_dim3A = arith.constant 0.000000e+00 : f32
    %broadcast_in_dim3A_3 = vector.broadcast %broadcast_in_dim3A : f32 to vector<16xf32>
    %scan3A = arith.constant 0 : i32
    %scan3A_4 = arith.constant 8 : i32
    %scan3A_5 = arith.addi %scan3A, %scan3A_4 : i32
    %scan3A_6 = arith.constant 1 : i32
    scf.for %scan3A_26 = %scan3A to %scan3A_5 step %scan3A_6  : i32 {
      %mul3A_27 = arith.constant 1 : i32
      %mul3A_28 = arith.muli %scan3A_26, %mul3A_27 : i32
      %add3A = arith.constant 0 : i32
      %add3A_29 = arith.addi %add3A, %mul3A_28 : i32
      %swap3A = arith.index_cast %add3A_29 : i32 to index
      %swap3A_30 = arith.constant 0 : index
      %swap3A_31 = tpu.vector_load %arg18[%swap3A, %swap3A_30] {strides = array<i32>} : memref<8x16xf32, #tpu.memory_space<vmem>>, vector<1x16xf32>,
      %swap3A_32 = vector.shape_cast %swap3A_31 : vector<1x16xf32> to vector<16xf32>
      %swap3A_33 = vector.shape_cast %broadcast_in_dim3A_3 : vector<16xf32> to vector<1x16xf32>
      tpu.vector_store %arg18[%swap3A, %swap3A_30], %swap3A_33 {strides = array<i32>} : memref<8x16xf32, #tpu.memory_space<vmem>>, vector<1x16xf32>,
    }
    %scan3A_7 = arith.constant 8 : i32
    %scan3A_8 = arith.constant 0 : i32
    %scan3A_9 = arith.constant 14 : i32
    %scan3A_10 = arith.addi %scan3A_8, %scan3A_9 : i32
    %scan3A_11 = arith.constant 1 : i32
    scf.for %scan3A_26 = %scan3A_8 to %scan3A_10 step %scan3A_11  : i32 {
      %mul3A_27 = arith.constant 1 : i32
      %mul3A_28 = arith.muli %scan3A_26, %mul3A_27 : i32
      %add3A = arith.constant 0 : i32
      %add3A_29 = arith.addi %add3A, %mul3A_28 : i32
      %mul3A_30 = arith.constant 224 : i32
      %mul3A_31 = arith.muli %add3A_29, %mul3A_30 : i32
      %add3A_32 = arith.addi %mul3A_0, %mul3A_31 : i32
      "tpu.region"() ({
        %run_scoped3A = tpu.sem_alloc : memref<!tpu.dma_semaphore, #tpu.memory_space<semaphore_mem>>
        %dma_start3A = arith.constant 0 : i32
        %dma_start3A_33 = tpu.memref_slice %arg4[%add3A_32, %dma_start3A] : memref<50176x16xf32, #tpu.memory_space<hbm>> -> memref<224x16xf32, #tpu.memory_space<hbm>>
        %dma_start3A_34 = arith.constant 0 : i32
        %dma_start3A_35 = tpu.memref_slice %arg4[%add3A_32, %dma_start3A_34] : memref<50176x16xf32, #tpu.memory_space<hbm>> -> memref<224x16xf32, #tpu.memory_space<hbm>>
        tpu.enqueue_dma source(%dma_start3A_35 : memref<224x16xf32, #tpu.memory_space<hbm>>) target(%arg16 : memref<224x16xf32, #tpu.memory_space<vmem>>) target_semaphore(%run_scoped3A : memref<!tpu.dma_semaphore, #tpu.memory_space<semaphore_mem>>)
        %dma_wait3A = arith.constant 0 : i32
        %dma_wait3A_36 = tpu.memref_slice %arg4[%add3A_32, %dma_wait3A] : memref<50176x16xf32, #tpu.memory_space<hbm>> -> memref<224x16xf32, #tpu.memory_space<hbm>>
        %dma_wait3A_37 = arith.constant 0 : i32
        %dma_wait3A_38 = tpu.memref_slice %arg4[%add3A_32, %dma_wait3A_37] : memref<50176x16xf32, #tpu.memory_space<hbm>> -> memref<224x16xf32, #tpu.memory_space<hbm>>
        tpu.wait_dma2 semaphore(%run_scoped3A : memref<!tpu.dma_semaphore, #tpu.memory_space<semaphore_mem>>) src(%dma_wait3A_38 : memref<224x16xf32, #tpu.memory_space<hbm>>) dst(%arg16 : memref<224x16xf32, #tpu.memory_space<vmem>>)
        tpu.yield
      }) : () -> ()
      "tpu.region"() ({
        %run_scoped3A = tpu.sem_alloc : memref<!tpu.dma_semaphore, #tpu.memory_space<semaphore_mem>>
        %dma_start3A = arith.constant 0 : i32
        %dma_start3A_33 = tpu.memref_slice %arg10[%add3A_32, %dma_start3A] : memref<50176x16xf32, #tpu.memory_space<vmem_shared>> -> memref<224x16xf32, #tpu.memory_space<vmem_shared>>
        %dma_start3A_34 = arith.constant 0 : i32
        %dma_start3A_35 = tpu.memref_slice %arg10[%add3A_32, %dma_start3A_34] : memref<50176x16xf32, #tpu.memory_space<vmem_shared>> -> memref<224x16xf32, #tpu.memory_space<vmem_shared>>
        tpu.enqueue_dma source(%arg16 : memref<224x16xf32, #tpu.memory_space<vmem>>) target(%dma_start3A_35 : memref<224x16xf32, #tpu.memory_space<vmem_shared>>) target_semaphore(%run_scoped3A : memref<!tpu.dma_semaphore, #tpu.memory_space<semaphore_mem>>)
        %dma_wait3A = arith.constant 0 : i32
        %dma_wait3A_36 = tpu.memref_slice %arg10[%add3A_32, %dma_wait3A] : memref<50176x16xf32, #tpu.memory_space<vmem_shared>> -> memref<224x16xf32, #tpu.memory_space<vmem_shared>>
        %dma_wait3A_37 = arith.constant 0 : i32
        %dma_wait3A_38 = tpu.memref_slice %arg10[%add3A_32, %dma_wait3A_37] : memref<50176x16xf32, #tpu.memory_space<vmem_shared>> -> memref<224x16xf32, #tpu.memory_space<vmem_shared>>
        tpu.wait_dma2 semaphore(%run_scoped3A : memref<!tpu.dma_semaphore, #tpu.memory_space<semaphore_mem>>) src(%arg16 : memref<224x16xf32, #tpu.memory_space<vmem>>) dst(%dma_wait3A_38 : memref<224x16xf32, #tpu.memory_space<vmem_shared>>)
        tpu.yield
      }) : () -> ()
      "tpu.region"() ({
        %run_scoped3A = tpu.sem_alloc : memref<!tpu.dma_semaphore, #tpu.memory_space<semaphore_mem>>
        %dma_start3A = arith.constant 0 : i32
        %dma_start3A_33 = tpu.memref_slice %arg5[%add3A_32, %dma_start3A] : memref<50176x16xf32, #tpu.memory_space<hbm>> -> memref<224x16xf32, #tpu.memory_space<hbm>>
        %dma_start3A_34 = arith.constant 0 : i32
        %dma_start3A_35 = tpu.memref_slice %arg5[%add3A_32, %dma_start3A_34] : memref<50176x16xf32, #tpu.memory_space<hbm>> -> memref<224x16xf32, #tpu.memory_space<hbm>>
        tpu.enqueue_dma source(%dma_start3A_35 : memref<224x16xf32, #tpu.memory_space<hbm>>) target(%arg15 : memref<224x16xf32, #tpu.memory_space<vmem>>) target_semaphore(%run_scoped3A : memref<!tpu.dma_semaphore, #tpu.memory_space<semaphore_mem>>)
        %dma_wait3A = arith.constant 0 : i32
        %dma_wait3A_36 = tpu.memref_slice %arg5[%add3A_32, %dma_wait3A] : memref<50176x16xf32, #tpu.memory_space<hbm>> -> memref<224x16xf32, #tpu.memory_space<hbm>>
        %dma_wait3A_37 = arith.constant 0 : i32
        %dma_wait3A_38 = tpu.memref_slice %arg5[%add3A_32, %dma_wait3A_37] : memref<50176x16xf32, #tpu.memory_space<hbm>> -> memref<224x16xf32, #tpu.memory_space<hbm>>
        tpu.wait_dma2 semaphore(%run_scoped3A : memref<!tpu.dma_semaphore, #tpu.memory_space<semaphore_mem>>) src(%dma_wait3A_38 : memref<224x16xf32, #tpu.memory_space<hbm>>) dst(%arg15 : memref<224x16xf32, #tpu.memory_space<vmem>>)
        tpu.yield
      }) : () -> ()
      "tpu.region"() ({
        %run_scoped3A = tpu.sem_alloc : memref<!tpu.dma_semaphore, #tpu.memory_space<semaphore_mem>>
        %dma_start3A = arith.constant 0 : i32
        %dma_start3A_33 = tpu.memref_slice %arg11[%add3A_32, %dma_start3A] : memref<50176x16xf32, #tpu.memory_space<vmem_shared>> -> memref<224x16xf32, #tpu.memory_space<vmem_shared>>
        %dma_start3A_34 = arith.constant 0 : i32
        %dma_start3A_35 = tpu.memref_slice %arg11[%add3A_32, %dma_start3A_34] : memref<50176x16xf32, #tpu.memory_space<vmem_shared>> -> memref<224x16xf32, #tpu.memory_space<vmem_shared>>
        tpu.enqueue_dma source(%arg15 : memref<224x16xf32, #tpu.memory_space<vmem>>) target(%dma_start3A_35 : memref<224x16xf32, #tpu.memory_space<vmem_shared>>) target_semaphore(%run_scoped3A : memref<!tpu.dma_semaphore, #tpu.memory_space<semaphore_mem>>)
        %dma_wait3A = arith.constant 0 : i32
        %dma_wait3A_36 = tpu.memref_slice %arg11[%add3A_32, %dma_wait3A] : memref<50176x16xf32, #tpu.memory_space<vmem_shared>> -> memref<224x16xf32, #tpu.memory_space<vmem_shared>>
        %dma_wait3A_37 = arith.constant 0 : i32
        %dma_wait3A_38 = tpu.memref_slice %arg11[%add3A_32, %dma_wait3A_37] : memref<50176x16xf32, #tpu.memory_space<vmem_shared>> -> memref<224x16xf32, #tpu.memory_space<vmem_shared>>
        tpu.wait_dma2 semaphore(%run_scoped3A : memref<!tpu.dma_semaphore, #tpu.memory_space<semaphore_mem>>) src(%arg15 : memref<224x16xf32, #tpu.memory_space<vmem>>) dst(%dma_wait3A_38 : memref<224x16xf32, #tpu.memory_space<vmem_shared>>)
        tpu.yield
      }) : () -> ()
    }
    %scan3A_12 = arith.constant 14 : i32
    %barrier3A = arith.constant 0 : index
    tpu.barrier barrier_id(%barrier3A)
    %scan3A_13 = arith.constant 0 : i32
    %scan3A_14 = arith.constant 10 : i32
    %scan3A_15 = arith.addi %scan3A_13, %scan3A_14 : i32
    %scan3A_16 = arith.constant 1 : i32
    scf.for %scan3A_26 = %scan3A_13 to %scan3A_15 step %scan3A_16  : i32 {
      %mul3A_27 = arith.constant 1 : i32
      %mul3A_28 = arith.muli %scan3A_26, %mul3A_27 : i32
      %add3A = arith.constant 0 : i32
      %add3A_29 = arith.addi %add3A, %mul3A_28 : i32
      %run_scoped3A = arith.constant 0 : i32
      "tpu.region"() ({
        %run_scoped3A_167 = tpu.sem_alloc : memref<!tpu.dma_semaphore, #tpu.memory_space<semaphore_mem>>
        %dma_start3A_168 = arith.constant 0 : i32
        %dma_start3A_169 = arith.constant 0 : i32
        %dma_start3A_170 = tpu.memref_slice %arg12[%run_scoped3A, %dma_start3A_168, %dma_start3A_169] : memref<2x16x128xi32, #tpu.memory_space<vmem>> -> memref<1x16x128xi32, #tpu.memory_space<vmem>>
        %dma_start3A_171 = tpu.memref_squeeze %dma_start3A_170 : memref<1x16x128xi32, #tpu.memory_space<vmem>> -> memref<16x128xi32, #tpu.memory_space<vmem>>
        %dma_start3A_172 = arith.constant 0 : i32
        %dma_start3A_173 = tpu.memref_slice %arg2[%mul3A_2, %dma_start3A_172] : memref<12544x128xi32, #tpu.memory_space<hbm>> -> memref<16x128xi32, #tpu.memory_space<hbm>>
        %dma_start3A_174 = arith.constant 0 : i32
        %dma_start3A_175 = arith.constant 0 : i32
        %dma_start3A_176 = tpu.memref_slice %arg12[%run_scoped3A, %dma_start3A_174, %dma_start3A_175] : memref<2x16x128xi32, #tpu.memory_space<vmem>> -> memref<1x16x128xi32, #tpu.memory_space<vmem>>
        %dma_start3A_177 = tpu.memref_squeeze %dma_start3A_176 : memref<1x16x128xi32, #tpu.memory_space<vmem>> -> memref<16x128xi32, #tpu.memory_space<vmem>>
        %dma_start3A_178 = arith.constant 0 : i32
        %dma_start3A_179 = tpu.memref_slice %arg2[%mul3A_2, %dma_start3A_178] : memref<12544x128xi32, #tpu.memory_space<hbm>> -> memref<16x128xi32, #tpu.memory_space<hbm>>
        tpu.enqueue_dma source(%dma_start3A_179 : memref<16x128xi32, #tpu.memory_space<hbm>>) target(%dma_start3A_177 : memref<16x128xi32, #tpu.memory_space<vmem>>) target_semaphore(%run_scoped3A_167 : memref<!tpu.dma_semaphore, #tpu.memory_space<semaphore_mem>>)
        %dma_wait3A_180 = arith.constant 0 : i32
        %dma_wait3A_181 = arith.constant 0 : i32
        %dma_wait3A_182 = tpu.memref_slice %arg12[%run_scoped3A, %dma_wait3A_180, %dma_wait3A_181] : memref<2x16x128xi32, #tpu.memory_space<vmem>> -> memref<1x16x128xi32, #tpu.memory_space<vmem>>
        %dma_wait3A_183 = tpu.memref_squeeze %dma_wait3A_182 : memref<1x16x128xi32, #tpu.memory_space<vmem>> -> memref<16x128xi32, #tpu.memory_space<vmem>>
        %dma_wait3A_184 = arith.constant 0 : i32
        %dma_wait3A_185 = tpu.memref_slice %arg2[%mul3A_2, %dma_wait3A_184] : memref<12544x128xi32, #tpu.memory_space<hbm>> -> memref<16x128xi32, #tpu.memory_space<hbm>>
        %dma_wait3A_186 = arith.constant 0 : i32
        %dma_wait3A_187 = arith.constant 0 : i32
        %dma_wait3A_188 = tpu.memref_slice %arg12[%run_scoped3A, %dma_wait3A_186, %dma_wait3A_187] : memref<2x16x128xi32, #tpu.memory_space<vmem>> -> memref<1x16x128xi32, #tpu.memory_space<vmem>>
        %dma_wait3A_189 = tpu.memref_squeeze %dma_wait3A_188 : memref<1x16x128xi32, #tpu.memory_space<vmem>> -> memref<16x128xi32, #tpu.memory_space<vmem>>
        %dma_wait3A_190 = arith.constant 0 : i32
        %dma_wait3A_191 = tpu.memref_slice %arg2[%mul3A_2, %dma_wait3A_190] : memref<12544x128xi32, #tpu.memory_space<hbm>> -> memref<16x128xi32, #tpu.memory_space<hbm>>
        tpu.wait_dma2 semaphore(%run_scoped3A_167 : memref<!tpu.dma_semaphore, #tpu.memory_space<semaphore_mem>>) src(%dma_wait3A_191 : memref<16x128xi32, #tpu.memory_space<hbm>>) dst(%dma_wait3A_189 : memref<16x128xi32, #tpu.memory_space<vmem>>)
        tpu.yield
      }) : () -> ()
      %run_scoped3A_30 = arith.constant 0 : i32
      "tpu.region"() ({
        %run_scoped3A_167 = tpu.sem_alloc : memref<!tpu.dma_semaphore, #tpu.memory_space<semaphore_mem>>
        %dma_start3A_168 = arith.constant 0 : i32
        %dma_start3A_169 = arith.constant 0 : i32
        %dma_start3A_170 = tpu.memref_slice %arg13[%run_scoped3A_30, %dma_start3A_168, %dma_start3A_169] : memref<2x16x128xi32, #tpu.memory_space<vmem>> -> memref<1x16x128xi32, #tpu.memory_space<vmem>>
        %dma_start3A_171 = tpu.memref_squeeze %dma_start3A_170 : memref<1x16x128xi32, #tpu.memory_space<vmem>> -> memref<16x128xi32, #tpu.memory_space<vmem>>
        %dma_start3A_172 = arith.constant 0 : i32
        %dma_start3A_173 = tpu.memref_slice %arg3[%mul3A_2, %dma_start3A_172] : memref<12544x128xi32, #tpu.memory_space<hbm>> -> memref<16x128xi32, #tpu.memory_space<hbm>>
        %dma_start3A_174 = arith.constant 0 : i32
        %dma_start3A_175 = arith.constant 0 : i32
        %dma_start3A_176 = tpu.memref_slice %arg13[%run_scoped3A_30, %dma_start3A_174, %dma_start3A_175] : memref<2x16x128xi32, #tpu.memory_space<vmem>> -> memref<1x16x128xi32, #tpu.memory_space<vmem>>
        %dma_start3A_177 = tpu.memref_squeeze %dma_start3A_176 : memref<1x16x128xi32, #tpu.memory_space<vmem>> -> memref<16x128xi32, #tpu.memory_space<vmem>>
        %dma_start3A_178 = arith.constant 0 : i32
        %dma_start3A_179 = tpu.memref_slice %arg3[%mul3A_2, %dma_start3A_178] : memref<12544x128xi32, #tpu.memory_space<hbm>> -> memref<16x128xi32, #tpu.memory_space<hbm>>
        tpu.enqueue_dma source(%dma_start3A_179 : memref<16x128xi32, #tpu.memory_space<hbm>>) target(%dma_start3A_177 : memref<16x128xi32, #tpu.memory_space<vmem>>) target_semaphore(%run_scoped3A_167 : memref<!tpu.dma_semaphore, #tpu.memory_space<semaphore_mem>>)
        %dma_wait3A_180 = arith.constant 0 : i32
        %dma_wait3A_181 = arith.constant 0 : i32
        %dma_wait3A_182 = tpu.memref_slice %arg13[%run_scoped3A_30, %dma_wait3A_180, %dma_wait3A_181] : memref<2x16x128xi32, #tpu.memory_space<vmem>> -> memref<1x16x128xi32, #tpu.memory_space<vmem>>
        %dma_wait3A_183 = tpu.memref_squeeze %dma_wait3A_182 : memref<1x16x128xi32, #tpu.memory_space<vmem>> -> memref<16x128xi32, #tpu.memory_space<vmem>>
        %dma_wait3A_184 = arith.constant 0 : i32
        %dma_wait3A_185 = tpu.memref_slice %arg3[%mul3A_2, %dma_wait3A_184] : memref<12544x128xi32, #tpu.memory_space<hbm>> -> memref<16x128xi32, #tpu.memory_space<hbm>>
        %dma_wait3A_186 = arith.constant 0 : i32
        %dma_wait3A_187 = arith.constant 0 : i32
        %dma_wait3A_188 = tpu.memref_slice %arg13[%run_scoped3A_30, %dma_wait3A_186, %dma_wait3A_187] : memref<2x16x128xi32, #tpu.memory_space<vmem>> -> memref<1x16x128xi32, #tpu.memory_space<vmem>>
        %dma_wait3A_189 = tpu.memref_squeeze %dma_wait3A_188 : memref<1x16x128xi32, #tpu.memory_space<vmem>> -> memref<16x128xi32, #tpu.memory_space<vmem>>
        %dma_wait3A_190 = arith.constant 0 : i32
        %dma_wait3A_191 = tpu.memref_slice %arg3[%mul3A_2, %dma_wait3A_190] : memref<12544x128xi32, #tpu.memory_space<hbm>> -> memref<16x128xi32, #tpu.memory_space<hbm>>
        tpu.wait_dma2 semaphore(%run_scoped3A_167 : memref<!tpu.dma_semaphore, #tpu.memory_space<semaphore_mem>>) src(%dma_wait3A_191 : memref<16x128xi32, #tpu.memory_space<hbm>>) dst(%dma_wait3A_189 : memref<16x128xi32, #tpu.memory_space<vmem>>)
        tpu.yield
      }) : () -> ()
      %add3A_31 = arith.constant 16 : i32
      %add3A_32 = arith.addi %mul3A_2, %add3A_31 : i32
      %dma_start3A = arith.constant 1 : i32
      %dma_start3A_33 = arith.constant 0 : i32
      %dma_start3A_34 = arith.constant 0 : i32
      %dma_start3A_35 = tpu.memref_slice %arg12[%dma_start3A, %dma_start3A_33, %dma_start3A_34] : memref<2x16x128xi32, #tpu.memory_space<vmem>> -> memref<1x16x128xi32, #tpu.memory_space<vmem>>
      %dma_start3A_36 = tpu.memref_squeeze %dma_start3A_35 : memref<1x16x128xi32, #tpu.memory_space<vmem>> -> memref<16x128xi32, #tpu.memory_space<vmem>>
      %dma_start3A_37 = arith.constant 0 : i32
      %dma_start3A_38 = tpu.memref_slice %arg2[%add3A_32, %dma_start3A_37] : memref<12544x128xi32, #tpu.memory_space<hbm>> -> memref<16x128xi32, #tpu.memory_space<hbm>>
      %dma_start3A_39 = arith.constant 0 : i32
      %dma_start3A_40 = arith.constant 0 : i32
      %dma_start3A_41 = tpu.memref_slice %arg12[%dma_start3A, %dma_start3A_39, %dma_start3A_40] : memref<2x16x128xi32, #tpu.memory_space<vmem>> -> memref<1x16x128xi32, #tpu.memory_space<vmem>>
      %dma_start3A_42 = tpu.memref_squeeze %dma_start3A_41 : memref<1x16x128xi32, #tpu.memory_space<vmem>> -> memref<16x128xi32, #tpu.memory_space<vmem>>
      %dma_start3A_43 = arith.constant 0 : i32
      %dma_start3A_44 = tpu.memref_slice %arg2[%add3A_32, %dma_start3A_43] : memref<12544x128xi32, #tpu.memory_space<hbm>> -> memref<16x128xi32, #tpu.memory_space<hbm>>
      tpu.enqueue_dma source(%dma_start3A_44 : memref<16x128xi32, #tpu.memory_space<hbm>>) target(%dma_start3A_42 : memref<16x128xi32, #tpu.memory_space<vmem>>) target_semaphore(%arg22 : memref<!tpu.dma_semaphore, #tpu.memory_space<semaphore_mem>>)
      %add3A_45 = arith.constant 16 : i32
      %add3A_46 = arith.addi %mul3A_2, %add3A_45 : i32
      %dma_start3A_47 = arith.constant 1 : i32
      %dma_start3A_48 = arith.constant 0 : i32
      %dma_start3A_49 = arith.constant 0 : i32
      %dma_start3A_50 = tpu.memref_slice %arg13[%dma_start3A_47, %dma_start3A_48, %dma_start3A_49] : memref<2x16x128xi32, #tpu.memory_space<vmem>> -> memref<1x16x128xi32, #tpu.memory_space<vmem>>
      %dma_start3A_51 = tpu.memref_squeeze %dma_start3A_50 : memref<1x16x128xi32, #tpu.memory_space<vmem>> -> memref<16x128xi32, #tpu.memory_space<vmem>>
      %dma_start3A_52 = arith.constant 0 : i32
      %dma_start3A_53 = tpu.memref_slice %arg3[%add3A_46, %dma_start3A_52] : memref<12544x128xi32, #tpu.memory_space<hbm>> -> memref<16x128xi32, #tpu.memory_space<hbm>>
      %dma_start3A_54 = arith.constant 0 : i32
      %dma_start3A_55 = arith.constant 0 : i32
      %dma_start3A_56 = tpu.memref_slice %arg13[%dma_start3A_47, %dma_start3A_54, %dma_start3A_55] : memref<2x16x128xi32, #tpu.memory_space<vmem>> -> memref<1x16x128xi32, #tpu.memory_space<vmem>>
      %dma_start3A_57 = tpu.memref_squeeze %dma_start3A_56 : memref<1x16x128xi32, #tpu.memory_space<vmem>> -> memref<16x128xi32, #tpu.memory_space<vmem>>
      %dma_start3A_58 = arith.constant 0 : i32
      %dma_start3A_59 = tpu.memref_slice %arg3[%add3A_46, %dma_start3A_58] : memref<12544x128xi32, #tpu.memory_space<hbm>> -> memref<16x128xi32, #tpu.memory_space<hbm>>
      tpu.enqueue_dma source(%dma_start3A_59 : memref<16x128xi32, #tpu.memory_space<hbm>>) target(%dma_start3A_57 : memref<16x128xi32, #tpu.memory_space<vmem>>) target_semaphore(%arg22 : memref<!tpu.dma_semaphore, #tpu.memory_space<semaphore_mem>>)
      %dma_start3A_60 = arith.constant 0 : i32
      %dma_start3A_61 = arith.constant 0 : i32
      %dma_start3A_62 = arith.constant 0 : i32
      %dma_start3A_63 = arith.constant 0 : i32
      %dma_start3A_64 = arith.constant 0 : i32
      %dma_start3A_65 = arith.constant 0 : i32
      %dma_start3A_66 = tpu.memref_slice %arg14[%dma_start3A_62, %dma_start3A_64, %dma_start3A_65] : memref<4x128x16xf32, #tpu.memory_space<vmem>> -> memref<1x128x16xf32, #tpu.memory_space<vmem>>
      %dma_start3A_67 = tpu.memref_squeeze %dma_start3A_66 : memref<1x128x16xf32, #tpu.memory_space<vmem>> -> memref<128x16xf32, #tpu.memory_space<vmem>>
      %dma_start3A_68 = arith.constant 0 : i32
      %dma_start3A_69 = tpu.memref_slice %arg12[%dma_start3A_60, %dma_start3A_61, %dma_start3A_68] : memref<2x16x128xi32, #tpu.memory_space<vmem>> -> memref<1x1x128xi32, #tpu.memory_space<vmem>>
      %dma_start3A_70 = tpu.memref_squeeze %dma_start3A_69 : memref<1x1x128xi32, #tpu.memory_space<vmem>> -> memref<128xi32, #tpu.memory_space<vmem>>
      %dma_start3A_71 = arith.constant 0 : i32
      %dma_start3A_72 = arith.constant 0 : i32
      %dma_start3A_73 = tpu.memref_slice %arg10[%dma_start3A_71, %dma_start3A_72] : memref<50176x16xf32, #tpu.memory_space<vmem_shared>> -> memref<50176x16xf32, #tpu.memory_space<vmem_shared>>
      %dma_start3A_74 = tpu.memref_slice %arg20[%dma_start3A_63] : memref<4x!tpu.dma_semaphore, #tpu.memory_space<semaphore_mem>> -> memref<1x!tpu.dma_semaphore, #tpu.memory_space<semaphore_mem>>
      %dma_start3A_75 = tpu.memref_squeeze %dma_start3A_74 : memref<1x!tpu.dma_semaphore, #tpu.memory_space<semaphore_mem>> -> memref<!tpu.dma_semaphore, #tpu.memory_space<semaphore_mem>>
      tpu.enqueue_indirect_dma source(%dma_start3A_73 : memref<50176x16xf32, #tpu.memory_space<vmem_shared>>) target(%dma_start3A_67 : memref<128x16xf32, #tpu.memory_space<vmem>>) offsets(%dma_start3A_70 : memref<128xi32, #tpu.memory_space<vmem>>) semaphore(%dma_start3A_75 : memref<!tpu.dma_semaphore, #tpu.memory_space<semaphore_mem>>)
      %dma_start3A_76 = arith.constant 0 : i32
      %dma_start3A_77 = arith.constant 1 : i32
      %dma_start3A_78 = arith.constant 1 : i32
      %dma_start3A_79 = arith.constant 1 : i32
      %dma_start3A_80 = arith.constant 0 : i32
      %dma_start3A_81 = arith.constant 0 : i32
      %dma_start3A_82 = tpu.memref_slice %arg14[%dma_start3A_78, %dma_start3A_80, %dma_start3A_81] : memref<4x128x16xf32, #tpu.memory_space<vmem>> -> memref<1x128x16xf32, #tpu.memory_space<vmem>>
      %dma_start3A_83 = tpu.memref_squeeze %dma_start3A_82 : memref<1x128x16xf32, #tpu.memory_space<vmem>> -> memref<128x16xf32, #tpu.memory_space<vmem>>
      %dma_start3A_84 = arith.constant 0 : i32
      %dma_start3A_85 = tpu.memref_slice %arg12[%dma_start3A_76, %dma_start3A_77, %dma_start3A_84] : memref<2x16x128xi32, #tpu.memory_space<vmem>> -> memref<1x1x128xi32, #tpu.memory_space<vmem>>
      %dma_start3A_86 = tpu.memref_squeeze %dma_start3A_85 : memref<1x1x128xi32, #tpu.memory_space<vmem>> -> memref<128xi32, #tpu.memory_space<vmem>>
      %dma_start3A_87 = arith.constant 0 : i32
      %dma_start3A_88 = arith.constant 0 : i32
      %dma_start3A_89 = tpu.memref_slice %arg10[%dma_start3A_87, %dma_start3A_88] : memref<50176x16xf32, #tpu.memory_space<vmem_shared>> -> memref<50176x16xf32, #tpu.memory_space<vmem_shared>>
      %dma_start3A_90 = tpu.memref_slice %arg20[%dma_start3A_79] : memref<4x!tpu.dma_semaphore, #tpu.memory_space<semaphore_mem>> -> memref<1x!tpu.dma_semaphore, #tpu.memory_space<semaphore_mem>>
      %dma_start3A_91 = tpu.memref_squeeze %dma_start3A_90 : memref<1x!tpu.dma_semaphore, #tpu.memory_space<semaphore_mem>> -> memref<!tpu.dma_semaphore, #tpu.memory_space<semaphore_mem>>
      tpu.enqueue_indirect_dma source(%dma_start3A_89 : memref<50176x16xf32, #tpu.memory_space<vmem_shared>>) target(%dma_start3A_83 : memref<128x16xf32, #tpu.memory_space<vmem>>) offsets(%dma_start3A_86 : memref<128xi32, #tpu.memory_space<vmem>>) semaphore(%dma_start3A_91 : memref<!tpu.dma_semaphore, #tpu.memory_space<semaphore_mem>>)
      %scan3A_92 = arith.constant 0 : i32
      %scan3A_93 = arith.constant 784 : i32
      %scan3A_94 = arith.addi %scan3A_92, %scan3A_93 : i32
      %scan3A_95 = arith.constant 1 : i32
      scf.for %scan3A_167 = %scan3A_92 to %scan3A_94 step %scan3A_95  : i32 {
        %mul3A_168 = arith.constant 1 : i32
        %mul3A_169 = arith.muli %scan3A_167, %mul3A_168 : i32
        %add3A_170 = arith.constant 0 : i32
        %add3A_171 = arith.addi %add3A_170, %mul3A_169 : i32
        %rem3A = arith.constant 4 : i32
        %rem3A_172 = arith.remsi %add3A_171, %rem3A : i32
        %div3A = arith.constant 16 : i32
        %div3A_173 = arith.divsi %add3A_171, %div3A : i32
        %rem3A_174 = arith.constant 16 : i32
        %rem3A_175 = arith.remsi %add3A_171, %rem3A_174 : i32
        %rem3A_176 = arith.constant 2 : i32
        %rem3A_177 = arith.remsi %div3A_173, %rem3A_176 : i32
        %dma_wait3A_178 = arith.constant 0 : i32
        %dma_wait3A_179 = arith.constant 0 : i32
        %dma_wait3A_180 = arith.constant 0 : i32
        %dma_wait3A_181 = arith.constant 0 : i32
        %dma_wait3A_182 = tpu.memref_slice %arg14[%rem3A_172, %dma_wait3A_180, %dma_wait3A_181] : memref<4x128x16xf32, #tpu.memory_space<vmem>> -> memref<1x128x16xf32, #tpu.memory_space<vmem>>
        %dma_wait3A_183 = tpu.memref_squeeze %dma_wait3A_182 : memref<1x128x16xf32, #tpu.memory_space<vmem>> -> memref<128x16xf32, #tpu.memory_space<vmem>>
        %dma_wait3A_184 = arith.constant 0 : i32
        %dma_wait3A_185 = tpu.memref_slice %arg12[%dma_wait3A_178, %dma_wait3A_179, %dma_wait3A_184] : memref<2x16x128xi32, #tpu.memory_space<vmem>> -> memref<1x1x128xi32, #tpu.memory_space<vmem>>
        %dma_wait3A_186 = tpu.memref_squeeze %dma_wait3A_185 : memref<1x1x128xi32, #tpu.memory_space<vmem>> -> memref<128xi32, #tpu.memory_space<vmem>>
        %dma_wait3A_187 = arith.constant 0 : i32
        %dma_wait3A_188 = arith.constant 0 : i32
        %dma_wait3A_189 = tpu.memref_slice %arg10[%dma_wait3A_187, %dma_wait3A_188] : memref<50176x16xf32, #tpu.memory_space<vmem_shared>> -> memref<50176x16xf32, #tpu.memory_space<vmem_shared>>
        %dma_wait3A_190 = tpu.memref_slice %arg20[%rem3A_172] : memref<4x!tpu.dma_semaphore, #tpu.memory_space<semaphore_mem>> -> memref<1x!tpu.dma_semaphore, #tpu.memory_space<semaphore_mem>>
        %dma_wait3A_191 = tpu.memref_squeeze %dma_wait3A_190 : memref<1x!tpu.dma_semaphore, #tpu.memory_space<semaphore_mem>> -> memref<!tpu.dma_semaphore, #tpu.memory_space<semaphore_mem>>
        tpu.wait_indirect_dma semaphore(%dma_wait3A_191 : memref<!tpu.dma_semaphore, #tpu.memory_space<semaphore_mem>>) src(%dma_wait3A_189 : memref<50176x16xf32, #tpu.memory_space<vmem_shared>>) dst(%dma_wait3A_183 : memref<128x16xf32, #tpu.memory_space<vmem>>)
        %dma_start3A_192 = arith.constant 0 : i32
        %dma_start3A_193 = arith.constant 0 : i32
        %dma_start3A_194 = tpu.memref_slice %arg14[%rem3A_172, %dma_start3A_192, %dma_start3A_193] : memref<4x128x16xf32, #tpu.memory_space<vmem>> -> memref<1x128x16xf32, #tpu.memory_space<vmem>>
        %dma_start3A_195 = tpu.memref_squeeze %dma_start3A_194 : memref<1x128x16xf32, #tpu.memory_space<vmem>> -> memref<128x16xf32, #tpu.memory_space<vmem>>
        %dma_start3A_196 = arith.constant 0 : i32
        %dma_start3A_197 = tpu.memref_slice %arg13[%rem3A_177, %rem3A_175, %dma_start3A_196] : memref<2x16x128xi32, #tpu.memory_space<vmem>> -> memref<1x1x128xi32, #tpu.memory_space<vmem>>
        %dma_start3A_198 = tpu.memref_squeeze %dma_start3A_197 : memref<1x1x128xi32, #tpu.memory_space<vmem>> -> memref<128xi32, #tpu.memory_space<vmem>>
        %dma_start3A_199 = arith.constant 0 : i32
        %dma_start3A_200 = arith.constant 0 : i32
        %dma_start3A_201 = tpu.memref_slice %arg11[%dma_start3A_199, %dma_start3A_200] : memref<50176x16xf32, #tpu.memory_space<vmem_shared>> -> memref<50176x16xf32, #tpu.memory_space<vmem_shared>>
        %dma_start3A_202 = tpu.memref_slice %arg21[%rem3A_172] : memref<4x!tpu.dma_semaphore, #tpu.memory_space<semaphore_mem>> -> memref<1x!tpu.dma_semaphore, #tpu.memory_space<semaphore_mem>>
        %dma_start3A_203 = tpu.memref_squeeze %dma_start3A_202 : memref<1x!tpu.dma_semaphore, #tpu.memory_space<semaphore_mem>> -> memref<!tpu.dma_semaphore, #tpu.memory_space<semaphore_mem>>
        tpu.enqueue_indirect_dma source(%dma_start3A_195 : memref<128x16xf32, #tpu.memory_space<vmem>>) target(%dma_start3A_201 : memref<50176x16xf32, #tpu.memory_space<vmem_shared>>) offsets(%dma_start3A_198 : memref<128xi32, #tpu.memory_space<vmem>>) semaphore(%dma_start3A_203 : memref<!tpu.dma_semaphore, #tpu.memory_space<semaphore_mem>>) {add = true}
        %eq3A_204 = arith.constant 2 : i32
        %eq3A_205 = arith.cmpi eq, %rem3A_175, %eq3A_204 : i32
        %lt3A = arith.constant 771 : i32
        %lt3A_206 = arith.cmpi slt, %add3A_171, %lt3A : i32
        %and3A = arith.andi %eq3A_205, %lt3A_206 : i1
        %convert_element_type3A_207 = arith.extui %and3A : i1 to i32
        %cond3A_208 = arith.constant 0 : i32
        %cond3A_209 = arith.cmpi ne, %convert_element_type3A_207, %cond3A_208 : i32
        scf.if %cond3A_209 {
          %add3A_223 = arith.constant 1 : i32
          %add3A_224 = arith.addi %div3A_173, %add3A_223 : i32
          %rem3A_225 = arith.constant 2 : i32
          %rem3A_226 = arith.remsi %add3A_224, %rem3A_225 : i32
          %add3A_227 = arith.constant 1 : i32
          %add3A_228 = arith.addi %div3A_173, %add3A_227 : i32
          %mul3A_229 = arith.constant 16 : i32
          %mul3A_230 = arith.muli %add3A_228, %mul3A_229 : i32
          %add3A_231 = arith.addi %mul3A_2, %mul3A_230 : i32
          %dma_start3A_232 = arith.constant 0 : i32
          %dma_start3A_233 = arith.constant 0 : i32
          %dma_start3A_234 = tpu.memref_slice %arg12[%rem3A_226, %dma_start3A_232, %dma_start3A_233] : memref<2x16x128xi32, #tpu.memory_space<vmem>> -> memref<1x16x128xi32, #tpu.memory_space<vmem>>
          %dma_start3A_235 = tpu.memref_squeeze %dma_start3A_234 : memref<1x16x128xi32, #tpu.memory_space<vmem>> -> memref<16x128xi32, #tpu.memory_space<vmem>>
          %dma_start3A_236 = arith.constant 0 : i32
          %dma_start3A_237 = tpu.memref_slice %arg2[%add3A_231, %dma_start3A_236] : memref<12544x128xi32, #tpu.memory_space<hbm>> -> memref<16x128xi32, #tpu.memory_space<hbm>>
          %dma_start3A_238 = arith.constant 0 : i32
          %dma_start3A_239 = arith.constant 0 : i32
          %dma_start3A_240 = tpu.memref_slice %arg12[%rem3A_226, %dma_start3A_238, %dma_start3A_239] : memref<2x16x128xi32, #tpu.memory_space<vmem>> -> memref<1x16x128xi32, #tpu.memory_space<vmem>>
          %dma_start3A_241 = tpu.memref_squeeze %dma_start3A_240 : memref<1x16x128xi32, #tpu.memory_space<vmem>> -> memref<16x128xi32, #tpu.memory_space<vmem>>
          %dma_start3A_242 = arith.constant 0 : i32
          %dma_start3A_243 = tpu.memref_slice %arg2[%add3A_231, %dma_start3A_242] : memref<12544x128xi32, #tpu.memory_space<hbm>> -> memref<16x128xi32, #tpu.memory_space<hbm>>
          tpu.enqueue_dma source(%dma_start3A_243 : memref<16x128xi32, #tpu.memory_space<hbm>>) target(%dma_start3A_241 : memref<16x128xi32, #tpu.memory_space<vmem>>) target_semaphore(%arg22 : memref<!tpu.dma_semaphore, #tpu.memory_space<semaphore_mem>>)
          %dma_start3A_244 = arith.constant 0 : i32
          %dma_start3A_245 = arith.constant 0 : i32
          %dma_start3A_246 = tpu.memref_slice %arg13[%rem3A_226, %dma_start3A_244, %dma_start3A_245] : memref<2x16x128xi32, #tpu.memory_space<vmem>> -> memref<1x16x128xi32, #tpu.memory_space<vmem>>
          %dma_start3A_247 = tpu.memref_squeeze %dma_start3A_246 : memref<1x16x128xi32, #tpu.memory_space<vmem>> -> memref<16x128xi32, #tpu.memory_space<vmem>>
          %dma_start3A_248 = arith.constant 0 : i32
          %dma_start3A_249 = tpu.memref_slice %arg3[%add3A_231, %dma_start3A_248] : memref<12544x128xi32, #tpu.memory_space<hbm>> -> memref<16x128xi32, #tpu.memory_space<hbm>>
          %dma_start3A_250 = arith.constant 0 : i32
          %dma_start3A_251 = arith.constant 0 : i32
          %dma_start3A_252 = tpu.memref_slice %arg13[%rem3A_226, %dma_start3A_250, %dma_start3A_251] : memref<2x16x128xi32, #tpu.memory_space<vmem>> -> memref<1x16x128xi32, #tpu.memory_space<vmem>>
          %dma_start3A_253 = tpu.memref_squeeze %dma_start3A_252 : memref<1x16x128xi32, #tpu.memory_space<vmem>> -> memref<16x128xi32, #tpu.memory_space<vmem>>
          %dma_start3A_254 = arith.constant 0 : i32
          %dma_start3A_255 = tpu.memref_slice %arg3[%add3A_231, %dma_start3A_254] : memref<12544x128xi32, #tpu.memory_space<hbm>> -> memref<16x128xi32, #tpu.memory_space<hbm>>
          tpu.enqueue_dma source(%dma_start3A_255 : memref<16x128xi32, #tpu.memory_space<hbm>>) target(%dma_start3A_253 : memref<16x128xi32, #tpu.memory_space<vmem>>) target_semaphore(%arg22 : memref<!tpu.dma_semaphore, #tpu.memory_space<semaphore_mem>>)
        } else {
        }
        %eq3A_210 = arith.constant 14 : i32
        %eq3A_211 = arith.cmpi eq, %rem3A_175, %eq3A_210 : i32
        %lt3A_212 = arith.constant 768 : i32
        %lt3A_213 = arith.cmpi slt, %add3A_171, %lt3A_212 : i32
        %and3A_214 = arith.andi %eq3A_211, %lt3A_213 : i1
        %convert_element_type3A_215 = arith.extui %and3A_214 : i1 to i32
        %cond3A_216 = arith.constant 0 : i32
        %cond3A_217 = arith.cmpi ne, %convert_element_type3A_215, %cond3A_216 : i32
        scf.if %cond3A_217 {
          %dma_wait3A_223 = arith.constant 0 : i32
          %dma_wait3A_224 = arith.constant 0 : i32
          %dma_wait3A_225 = arith.constant 0 : i32
          %dma_wait3A_226 = tpu.memref_slice %arg12[%dma_wait3A_223, %dma_wait3A_224, %dma_wait3A_225] : memref<2x16x128xi32, #tpu.memory_space<vmem>> -> memref<1x16x128xi32, #tpu.memory_space<vmem>>
          %dma_wait3A_227 = tpu.memref_squeeze %dma_wait3A_226 : memref<1x16x128xi32, #tpu.memory_space<vmem>> -> memref<16x128xi32, #tpu.memory_space<vmem>>
          %dma_wait3A_228 = arith.constant 0 : i32
          %dma_wait3A_229 = arith.constant 0 : i32
          %dma_wait3A_230 = tpu.memref_slice %arg2[%dma_wait3A_228, %dma_wait3A_229] : memref<12544x128xi32, #tpu.memory_space<hbm>> -> memref<16x128xi32, #tpu.memory_space<hbm>>
          %dma_wait3A_231 = arith.constant 0 : i32
          %dma_wait3A_232 = arith.constant 0 : i32
          %dma_wait3A_233 = tpu.memref_slice %arg12[%dma_wait3A_223, %dma_wait3A_231, %dma_wait3A_232] : memref<2x16x128xi32, #tpu.memory_space<vmem>> -> memref<1x16x128xi32, #tpu.memory_space<vmem>>
          %dma_wait3A_234 = tpu.memref_squeeze %dma_wait3A_233 : memref<1x16x128xi32, #tpu.memory_space<vmem>> -> memref<16x128xi32, #tpu.memory_space<vmem>>
          %dma_wait3A_235 = arith.constant 0 : i32
          %dma_wait3A_236 = arith.constant 0 : i32
          %dma_wait3A_237 = tpu.memref_slice %arg2[%dma_wait3A_235, %dma_wait3A_236] : memref<12544x128xi32, #tpu.memory_space<hbm>> -> memref<16x128xi32, #tpu.memory_space<hbm>>
          tpu.wait_dma2 semaphore(%arg22 : memref<!tpu.dma_semaphore, #tpu.memory_space<semaphore_mem>>) src(%dma_wait3A_237 : memref<16x128xi32, #tpu.memory_space<hbm>>) dst(%dma_wait3A_234 : memref<16x128xi32, #tpu.memory_space<vmem>>)
          %dma_wait3A_238 = arith.constant 0 : i32
          %dma_wait3A_239 = arith.constant 0 : i32
          %dma_wait3A_240 = arith.constant 0 : i32
          %dma_wait3A_241 = tpu.memref_slice %arg13[%dma_wait3A_238, %dma_wait3A_239, %dma_wait3A_240] : memref<2x16x128xi32, #tpu.memory_space<vmem>> -> memref<1x16x128xi32, #tpu.memory_space<vmem>>
          %dma_wait3A_242 = tpu.memref_squeeze %dma_wait3A_241 : memref<1x16x128xi32, #tpu.memory_space<vmem>> -> memref<16x128xi32, #tpu.memory_space<vmem>>
          %dma_wait3A_243 = arith.constant 0 : i32
          %dma_wait3A_244 = arith.constant 0 : i32
          %dma_wait3A_245 = tpu.memref_slice %arg3[%dma_wait3A_243, %dma_wait3A_244] : memref<12544x128xi32, #tpu.memory_space<hbm>> -> memref<16x128xi32, #tpu.memory_space<hbm>>
          %dma_wait3A_246 = arith.constant 0 : i32
          %dma_wait3A_247 = arith.constant 0 : i32
          %dma_wait3A_248 = tpu.memref_slice %arg13[%dma_wait3A_238, %dma_wait3A_246, %dma_wait3A_247] : memref<2x16x128xi32, #tpu.memory_space<vmem>> -> memref<1x16x128xi32, #tpu.memory_space<vmem>>
          %dma_wait3A_249 = tpu.memref_squeeze %dma_wait3A_248 : memref<1x16x128xi32, #tpu.memory_space<vmem>> -> memref<16x128xi32, #tpu.memory_space<vmem>>
          %dma_wait3A_250 = arith.constant 0 : i32
          %dma_wait3A_251 = arith.constant 0 : i32
          %dma_wait3A_252 = tpu.memref_slice %arg3[%dma_wait3A_250, %dma_wait3A_251] : memref<12544x128xi32, #tpu.memory_space<hbm>> -> memref<16x128xi32, #tpu.memory_space<hbm>>
          tpu.wait_dma2 semaphore(%arg22 : memref<!tpu.dma_semaphore, #tpu.memory_space<semaphore_mem>>) src(%dma_wait3A_252 : memref<16x128xi32, #tpu.memory_space<hbm>>) dst(%dma_wait3A_249 : memref<16x128xi32, #tpu.memory_space<vmem>>)
        } else {
        }
        %lt3A_218 = arith.constant 782 : i32
        %lt3A_219 = arith.cmpi slt, %add3A_171, %lt3A_218 : i32
        %convert_element_type3A_220 = arith.extui %lt3A_219 : i1 to i32
        %cond3A_221 = arith.constant 0 : i32
        %cond3A_222 = arith.cmpi ne, %convert_element_type3A_220, %cond3A_221 : i32
        scf.if %cond3A_222 {
          %add3A_223 = arith.constant 2 : i32
          %add3A_224 = arith.addi %add3A_171, %add3A_223 : i32
          %rem3A_225 = arith.constant 4 : i32
          %rem3A_226 = arith.remsi %add3A_224, %rem3A_225 : i32
          %ge3A = arith.constant 2 : i32
          %ge3A_227 = arith.cmpi sge, %add3A_171, %ge3A : i32
          %convert_element_type3A_228 = arith.extui %ge3A_227 : i1 to i32
          %cond3A_229 = arith.constant 0 : i32
          %cond3A_230 = arith.cmpi ne, %convert_element_type3A_228, %cond3A_229 : i32
          scf.if %cond3A_230 {
            %dma_wait3A_249 = arith.constant 0 : i32
            %dma_wait3A_250 = arith.constant 0 : i32
            %dma_wait3A_251 = arith.constant 0 : i32
            %dma_wait3A_252 = arith.constant 0 : i32
            %dma_wait3A_253 = tpu.memref_slice %arg14[%rem3A_226, %dma_wait3A_251, %dma_wait3A_252] : memref<4x128x16xf32, #tpu.memory_space<vmem>> -> memref<1x128x16xf32, #tpu.memory_space<vmem>>
            %dma_wait3A_254 = tpu.memref_squeeze %dma_wait3A_253 : memref<1x128x16xf32, #tpu.memory_space<vmem>> -> memref<128x16xf32, #tpu.memory_space<vmem>>
            %dma_wait3A_255 = arith.constant 0 : i32
            %dma_wait3A_256 = tpu.memref_slice %arg13[%dma_wait3A_249, %dma_wait3A_250, %dma_wait3A_255] : memref<2x16x128xi32, #tpu.memory_space<vmem>> -> memref<1x1x128xi32, #tpu.memory_space<vmem>>
            %dma_wait3A_257 = tpu.memref_squeeze %dma_wait3A_256 : memref<1x1x128xi32, #tpu.memory_space<vmem>> -> memref<128xi32, #tpu.memory_space<vmem>>
            %dma_wait3A_258 = arith.constant 0 : i32
            %dma_wait3A_259 = arith.constant 0 : i32
            %dma_wait3A_260 = tpu.memref_slice %arg11[%dma_wait3A_258, %dma_wait3A_259] : memref<50176x16xf32, #tpu.memory_space<vmem_shared>> -> memref<50176x16xf32, #tpu.memory_space<vmem_shared>>
            %dma_wait3A_261 = tpu.memref_slice %arg21[%rem3A_226] : memref<4x!tpu.dma_semaphore, #tpu.memory_space<semaphore_mem>> -> memref<1x!tpu.dma_semaphore, #tpu.memory_space<semaphore_mem>>
            %dma_wait3A_262 = tpu.memref_squeeze %dma_wait3A_261 : memref<1x!tpu.dma_semaphore, #tpu.memory_space<semaphore_mem>> -> memref<!tpu.dma_semaphore, #tpu.memory_space<semaphore_mem>>
            tpu.wait_indirect_dma semaphore(%dma_wait3A_262 : memref<!tpu.dma_semaphore, #tpu.memory_space<semaphore_mem>>) src(%dma_wait3A_254 : memref<128x16xf32, #tpu.memory_space<vmem>>) dst(%dma_wait3A_260 : memref<50176x16xf32, #tpu.memory_space<vmem_shared>>)
          } else {
          }
          %div3A_231 = arith.constant 16 : i32
          %div3A_232 = arith.divsi %add3A_224, %div3A_231 : i32
          %rem3A_233 = arith.constant 2 : i32
          %rem3A_234 = arith.remsi %div3A_232, %rem3A_233 : i32
          %rem3A_235 = arith.constant 16 : i32
          %rem3A_236 = arith.remsi %add3A_224, %rem3A_235 : i32
          %dma_start3A_237 = arith.constant 0 : i32
          %dma_start3A_238 = arith.constant 0 : i32
          %dma_start3A_239 = tpu.memref_slice %arg14[%rem3A_226, %dma_start3A_237, %dma_start3A_238] : memref<4x128x16xf32, #tpu.memory_space<vmem>> -> memref<1x128x16xf32, #tpu.memory_space<vmem>>
          %dma_start3A_240 = tpu.memref_squeeze %dma_start3A_239 : memref<1x128x16xf32, #tpu.memory_space<vmem>> -> memref<128x16xf32, #tpu.memory_space<vmem>>
          %dma_start3A_241 = arith.constant 0 : i32
          %dma_start3A_242 = tpu.memref_slice %arg12[%rem3A_234, %rem3A_236, %dma_start3A_241] : memref<2x16x128xi32, #tpu.memory_space<vmem>> -> memref<1x1x128xi32, #tpu.memory_space<vmem>>
          %dma_start3A_243 = tpu.memref_squeeze %dma_start3A_242 : memref<1x1x128xi32, #tpu.memory_space<vmem>> -> memref<128xi32, #tpu.memory_space<vmem>>
          %dma_start3A_244 = arith.constant 0 : i32
          %dma_start3A_245 = arith.constant 0 : i32
          %dma_start3A_246 = tpu.memref_slice %arg10[%dma_start3A_244, %dma_start3A_245] : memref<50176x16xf32, #tpu.memory_space<vmem_shared>> -> memref<50176x16xf32, #tpu.memory_space<vmem_shared>>
          %dma_start3A_247 = tpu.memref_slice %arg20[%rem3A_226] : memref<4x!tpu.dma_semaphore, #tpu.memory_space<semaphore_mem>> -> memref<1x!tpu.dma_semaphore, #tpu.memory_space<semaphore_mem>>
          %dma_start3A_248 = tpu.memref_squeeze %dma_start3A_247 : memref<1x!tpu.dma_semaphore, #tpu.memory_space<semaphore_mem>> -> memref<!tpu.dma_semaphore, #tpu.memory_space<semaphore_mem>>
          tpu.enqueue_indirect_dma source(%dma_start3A_246 : memref<50176x16xf32, #tpu.memory_space<vmem_shared>>) target(%dma_start3A_240 : memref<128x16xf32, #tpu.memory_space<vmem>>) offsets(%dma_start3A_243 : memref<128xi32, #tpu.memory_space<vmem>>) semaphore(%dma_start3A_248 : memref<!tpu.dma_semaphore, #tpu.memory_space<semaphore_mem>>)
        } else {
        }
      }
      %scan3A_96 = arith.constant 784 : i32
      %dma_wait3A = arith.constant 0 : i32
      %dma_wait3A_97 = arith.constant 0 : i32
      %dma_wait3A_98 = arith.constant 0 : i32
      %dma_wait3A_99 = arith.constant 0 : i32
      %dma_wait3A_100 = arith.constant 0 : i32
      %dma_wait3A_101 = arith.constant 0 : i32
      %dma_wait3A_102 = tpu.memref_slice %arg14[%dma_wait3A, %dma_wait3A_100, %dma_wait3A_101] : memref<4x128x16xf32, #tpu.memory_space<vmem>> -> memref<1x128x16xf32, #tpu.memory_space<vmem>>
      %dma_wait3A_103 = tpu.memref_squeeze %dma_wait3A_102 : memref<1x128x16xf32, #tpu.memory_space<vmem>> -> memref<128x16xf32, #tpu.memory_space<vmem>>
      %dma_wait3A_104 = arith.constant 0 : i32
      %dma_wait3A_105 = tpu.memref_slice %arg13[%dma_wait3A_97, %dma_wait3A_98, %dma_wait3A_104] : memref<2x16x128xi32, #tpu.memory_space<vmem>> -> memref<1x1x128xi32, #tpu.memory_space<vmem>>
      %dma_wait3A_106 = tpu.memref_squeeze %dma_wait3A_105 : memref<1x1x128xi32, #tpu.memory_space<vmem>> -> memref<128xi32, #tpu.memory_space<vmem>>
      %dma_wait3A_107 = arith.constant 0 : i32
      %dma_wait3A_108 = arith.constant 0 : i32
      %dma_wait3A_109 = tpu.memref_slice %arg11[%dma_wait3A_107, %dma_wait3A_108] : memref<50176x16xf32, #tpu.memory_space<vmem_shared>> -> memref<50176x16xf32, #tpu.memory_space<vmem_shared>>
      %dma_wait3A_110 = tpu.memref_slice %arg21[%dma_wait3A_99] : memref<4x!tpu.dma_semaphore, #tpu.memory_space<semaphore_mem>> -> memref<1x!tpu.dma_semaphore, #tpu.memory_space<semaphore_mem>>
      %dma_wait3A_111 = tpu.memref_squeeze %dma_wait3A_110 : memref<1x!tpu.dma_semaphore, #tpu.memory_space<semaphore_mem>> -> memref<!tpu.dma_semaphore, #tpu.memory_space<semaphore_mem>>
      tpu.wait_indirect_dma semaphore(%dma_wait3A_111 : memref<!tpu.dma_semaphore, #tpu.memory_space<semaphore_mem>>) src(%dma_wait3A_103 : memref<128x16xf32, #tpu.memory_space<vmem>>) dst(%dma_wait3A_109 : memref<50176x16xf32, #tpu.memory_space<vmem_shared>>)
      %dma_wait3A_112 = arith.constant 1 : i32
      %dma_wait3A_113 = arith.constant 0 : i32
      %dma_wait3A_114 = arith.constant 0 : i32
      %dma_wait3A_115 = arith.constant 1 : i32
      %dma_wait3A_116 = arith.constant 0 : i32
      %dma_wait3A_117 = arith.constant 0 : i32
      %dma_wait3A_118 = tpu.memref_slice %arg14[%dma_wait3A_112, %dma_wait3A_116, %dma_wait3A_117] : memref<4x128x16xf32, #tpu.memory_space<vmem>> -> memref<1x128x16xf32, #tpu.memory_space<vmem>>
      %dma_wait3A_119 = tpu.memref_squeeze %dma_wait3A_118 : memref<1x128x16xf32, #tpu.memory_space<vmem>> -> memref<128x16xf32, #tpu.memory_space<vmem>>
      %dma_wait3A_120 = arith.constant 0 : i32
      %dma_wait3A_121 = tpu.memref_slice %arg13[%dma_wait3A_113, %dma_wait3A_114, %dma_wait3A_120] : memref<2x16x128xi32, #tpu.memory_space<vmem>> -> memref<1x1x128xi32, #tpu.memory_space<vmem>>
      %dma_wait3A_122 = tpu.memref_squeeze %dma_wait3A_121 : memref<1x1x128xi32, #tpu.memory_space<vmem>> -> memref<128xi32, #tpu.memory_space<vmem>>
      %dma_wait3A_123 = arith.constant 0 : i32
      %dma_wait3A_124 = arith.constant 0 : i32
      %dma_wait3A_125 = tpu.memref_slice %arg11[%dma_wait3A_123, %dma_wait3A_124] : memref<50176x16xf32, #tpu.memory_space<vmem_shared>> -> memref<50176x16xf32, #tpu.memory_space<vmem_shared>>
      %dma_wait3A_126 = tpu.memref_slice %arg21[%dma_wait3A_115] : memref<4x!tpu.dma_semaphore, #tpu.memory_space<semaphore_mem>> -> memref<1x!tpu.dma_semaphore, #tpu.memory_space<semaphore_mem>>
      %dma_wait3A_127 = tpu.memref_squeeze %dma_wait3A_126 : memref<1x!tpu.dma_semaphore, #tpu.memory_space<semaphore_mem>> -> memref<!tpu.dma_semaphore, #tpu.memory_space<semaphore_mem>>
      tpu.wait_indirect_dma semaphore(%dma_wait3A_127 : memref<!tpu.dma_semaphore, #tpu.memory_space<semaphore_mem>>) src(%dma_wait3A_119 : memref<128x16xf32, #tpu.memory_space<vmem>>) dst(%dma_wait3A_125 : memref<50176x16xf32, #tpu.memory_space<vmem_shared>>)
      %dma_wait3A_128 = arith.constant 2 : i32
      %dma_wait3A_129 = arith.constant 0 : i32
      %dma_wait3A_130 = arith.constant 0 : i32
      %dma_wait3A_131 = arith.constant 2 : i32
      %dma_wait3A_132 = arith.constant 0 : i32
      %dma_wait3A_133 = arith.constant 0 : i32
      %dma_wait3A_134 = tpu.memref_slice %arg14[%dma_wait3A_128, %dma_wait3A_132, %dma_wait3A_133] : memref<4x128x16xf32, #tpu.memory_space<vmem>> -> memref<1x128x16xf32, #tpu.memory_space<vmem>>
      %dma_wait3A_135 = tpu.memref_squeeze %dma_wait3A_134 : memref<1x128x16xf32, #tpu.memory_space<vmem>> -> memref<128x16xf32, #tpu.memory_space<vmem>>
      %dma_wait3A_136 = arith.constant 0 : i32
      %dma_wait3A_137 = tpu.memref_slice %arg13[%dma_wait3A_129, %dma_wait3A_130, %dma_wait3A_136] : memref<2x16x128xi32, #tpu.memory_space<vmem>> -> memref<1x1x128xi32, #tpu.memory_space<vmem>>
      %dma_wait3A_138 = tpu.memref_squeeze %dma_wait3A_137 : memref<1x1x128xi32, #tpu.memory_space<vmem>> -> memref<128xi32, #tpu.memory_space<vmem>>
      %dma_wait3A_139 = arith.constant 0 : i32
      %dma_wait3A_140 = arith.constant 0 : i32
      %dma_wait3A_141 = tpu.memref_slice %arg11[%dma_wait3A_139, %dma_wait3A_140] : memref<50176x16xf32, #tpu.memory_space<vmem_shared>> -> memref<50176x16xf32, #tpu.memory_space<vmem_shared>>
      %dma_wait3A_142 = tpu.memref_slice %arg21[%dma_wait3A_131] : memref<4x!tpu.dma_semaphore, #tpu.memory_space<semaphore_mem>> -> memref<1x!tpu.dma_semaphore, #tpu.memory_space<semaphore_mem>>
      %dma_wait3A_143 = tpu.memref_squeeze %dma_wait3A_142 : memref<1x!tpu.dma_semaphore, #tpu.memory_space<semaphore_mem>> -> memref<!tpu.dma_semaphore, #tpu.memory_space<semaphore_mem>>
      tpu.wait_indirect_dma semaphore(%dma_wait3A_143 : memref<!tpu.dma_semaphore, #tpu.memory_space<semaphore_mem>>) src(%dma_wait3A_135 : memref<128x16xf32, #tpu.memory_space<vmem>>) dst(%dma_wait3A_141 : memref<50176x16xf32, #tpu.memory_space<vmem_shared>>)
      %dma_wait3A_144 = arith.constant 3 : i32
      %dma_wait3A_145 = arith.constant 0 : i32
      %dma_wait3A_146 = arith.constant 0 : i32
      %dma_wait3A_147 = arith.constant 3 : i32
      %dma_wait3A_148 = arith.constant 0 : i32
      %dma_wait3A_149 = arith.constant 0 : i32
      %dma_wait3A_150 = tpu.memref_slice %arg14[%dma_wait3A_144, %dma_wait3A_148, %dma_wait3A_149] : memref<4x128x16xf32, #tpu.memory_space<vmem>> -> memref<1x128x16xf32, #tpu.memory_space<vmem>>
      %dma_wait3A_151 = tpu.memref_squeeze %dma_wait3A_150 : memref<1x128x16xf32, #tpu.memory_space<vmem>> -> memref<128x16xf32, #tpu.memory_space<vmem>>
      %dma_wait3A_152 = arith.constant 0 : i32
      %dma_wait3A_153 = tpu.memref_slice %arg13[%dma_wait3A_145, %dma_wait3A_146, %dma_wait3A_152] : memref<2x16x128xi32, #tpu.memory_space<vmem>> -> memref<1x1x128xi32, #tpu.memory_space<vmem>>
      %dma_wait3A_154 = tpu.memref_squeeze %dma_wait3A_153 : memref<1x1x128xi32, #tpu.memory_space<vmem>> -> memref<128xi32, #tpu.memory_space<vmem>>
      %dma_wait3A_155 = arith.constant 0 : i32
      %dma_wait3A_156 = arith.constant 0 : i32
      %dma_wait3A_157 = tpu.memref_slice %arg11[%dma_wait3A_155, %dma_wait3A_156] : memref<50176x16xf32, #tpu.memory_space<vmem_shared>> -> memref<50176x16xf32, #tpu.memory_space<vmem_shared>>
      %dma_wait3A_158 = tpu.memref_slice %arg21[%dma_wait3A_147] : memref<4x!tpu.dma_semaphore, #tpu.memory_space<semaphore_mem>> -> memref<1x!tpu.dma_semaphore, #tpu.memory_space<semaphore_mem>>
      %dma_wait3A_159 = tpu.memref_squeeze %dma_wait3A_158 : memref<1x!tpu.dma_semaphore, #tpu.memory_space<semaphore_mem>> -> memref<!tpu.dma_semaphore, #tpu.memory_space<semaphore_mem>>
      tpu.wait_indirect_dma semaphore(%dma_wait3A_159 : memref<!tpu.dma_semaphore, #tpu.memory_space<semaphore_mem>>) src(%dma_wait3A_151 : memref<128x16xf32, #tpu.memory_space<vmem>>) dst(%dma_wait3A_157 : memref<50176x16xf32, #tpu.memory_space<vmem_shared>>)
      %barrier3A_160 = arith.constant 0 : index
      tpu.barrier barrier_id(%barrier3A_160)
      %scan3A_161 = arith.constant 0 : i32
      %scan3A_162 = arith.constant 14 : i32
      %scan3A_163 = arith.addi %scan3A_161, %scan3A_162 : i32
      %scan3A_164 = arith.constant 1 : i32
      scf.for %scan3A_167 = %scan3A_161 to %scan3A_163 step %scan3A_164  : i32 {
        %mul3A_168 = arith.constant 1 : i32
        %mul3A_169 = arith.muli %scan3A_167, %mul3A_168 : i32
        %add3A_170 = arith.constant 0 : i32
        %add3A_171 = arith.addi %add3A_170, %mul3A_169 : i32
        %mul3A_172 = arith.constant 224 : i32
        %mul3A_173 = arith.muli %add3A_171, %mul3A_172 : i32
        %add3A_174 = arith.addi %mul3A_0, %mul3A_173 : i32
        "tpu.region"() ({
          %run_scoped3A_180 = tpu.sem_alloc : memref<!tpu.dma_semaphore, #tpu.memory_space<semaphore_mem>>
          %dma_start3A_181 = arith.constant 0 : i32
          %dma_start3A_182 = tpu.memref_slice %arg11[%add3A_174, %dma_start3A_181] : memref<50176x16xf32, #tpu.memory_space<vmem_shared>> -> memref<224x16xf32, #tpu.memory_space<vmem_shared>>
          %dma_start3A_183 = arith.constant 0 : i32
          %dma_start3A_184 = tpu.memref_slice %arg11[%add3A_174, %dma_start3A_183] : memref<50176x16xf32, #tpu.memory_space<vmem_shared>> -> memref<224x16xf32, #tpu.memory_space<vmem_shared>>
          tpu.enqueue_dma source(%dma_start3A_184 : memref<224x16xf32, #tpu.memory_space<vmem_shared>>) target(%arg15 : memref<224x16xf32, #tpu.memory_space<vmem>>) target_semaphore(%run_scoped3A_180 : memref<!tpu.dma_semaphore, #tpu.memory_space<semaphore_mem>>)
          %dma_wait3A_185 = arith.constant 0 : i32
          %dma_wait3A_186 = tpu.memref_slice %arg11[%add3A_174, %dma_wait3A_185] : memref<50176x16xf32, #tpu.memory_space<vmem_shared>> -> memref<224x16xf32, #tpu.memory_space<vmem_shared>>
          %dma_wait3A_187 = arith.constant 0 : i32
          %dma_wait3A_188 = tpu.memref_slice %arg11[%add3A_174, %dma_wait3A_187] : memref<50176x16xf32, #tpu.memory_space<vmem_shared>> -> memref<224x16xf32, #tpu.memory_space<vmem_shared>>
          tpu.wait_dma2 semaphore(%run_scoped3A_180 : memref<!tpu.dma_semaphore, #tpu.memory_space<semaphore_mem>>) src(%dma_wait3A_188 : memref<224x16xf32, #tpu.memory_space<vmem_shared>>) dst(%arg15 : memref<224x16xf32, #tpu.memory_space<vmem>>)
          tpu.yield
        }) : () -> ()
        "tpu.region"() ({
          %run_scoped3A_180 = tpu.sem_alloc : memref<!tpu.dma_semaphore, #tpu.memory_space<semaphore_mem>>
          %dma_start3A_181 = arith.constant 0 : i32
          %dma_start3A_182 = tpu.memref_slice %arg10[%add3A_174, %dma_start3A_181] : memref<50176x16xf32, #tpu.memory_space<vmem_shared>> -> memref<224x16xf32, #tpu.memory_space<vmem_shared>>
          %dma_start3A_183 = arith.constant 0 : i32
          %dma_start3A_184 = tpu.memref_slice %arg10[%add3A_174, %dma_start3A_183] : memref<50176x16xf32, #tpu.memory_space<vmem_shared>> -> memref<224x16xf32, #tpu.memory_space<vmem_shared>>
          tpu.enqueue_dma source(%dma_start3A_184 : memref<224x16xf32, #tpu.memory_space<vmem_shared>>) target(%arg16 : memref<224x16xf32, #tpu.memory_space<vmem>>) target_semaphore(%run_scoped3A_180 : memref<!tpu.dma_semaphore, #tpu.memory_space<semaphore_mem>>)
          %dma_wait3A_185 = arith.constant 0 : i32
          %dma_wait3A_186 = tpu.memref_slice %arg10[%add3A_174, %dma_wait3A_185] : memref<50176x16xf32, #tpu.memory_space<vmem_shared>> -> memref<224x16xf32, #tpu.memory_space<vmem_shared>>
          %dma_wait3A_187 = arith.constant 0 : i32
          %dma_wait3A_188 = tpu.memref_slice %arg10[%add3A_174, %dma_wait3A_187] : memref<50176x16xf32, #tpu.memory_space<vmem_shared>> -> memref<224x16xf32, #tpu.memory_space<vmem_shared>>
          tpu.wait_dma2 semaphore(%run_scoped3A_180 : memref<!tpu.dma_semaphore, #tpu.memory_space<semaphore_mem>>) src(%dma_wait3A_188 : memref<224x16xf32, #tpu.memory_space<vmem_shared>>) dst(%arg16 : memref<224x16xf32, #tpu.memory_space<vmem>>)
          tpu.yield
        }) : () -> ()
        "tpu.region"() ({
          %run_scoped3A_180 = tpu.sem_alloc : memref<!tpu.dma_semaphore, #tpu.memory_space<semaphore_mem>>
          %dma_start3A_181 = arith.constant 0 : i32
          %dma_start3A_182 = tpu.memref_slice %arg6[%add3A_174, %dma_start3A_181] : memref<50176x16xf32, #tpu.memory_space<hbm>> -> memref<224x16xf32, #tpu.memory_space<hbm>>
          %dma_start3A_183 = arith.constant 0 : i32
          %dma_start3A_184 = tpu.memref_slice %arg6[%add3A_174, %dma_start3A_183] : memref<50176x16xf32, #tpu.memory_space<hbm>> -> memref<224x16xf32, #tpu.memory_space<hbm>>
          tpu.enqueue_dma source(%dma_start3A_184 : memref<224x16xf32, #tpu.memory_space<hbm>>) target(%arg17 : memref<224x16xf32, #tpu.memory_space<vmem>>) target_semaphore(%run_scoped3A_180 : memref<!tpu.dma_semaphore, #tpu.memory_space<semaphore_mem>>)
          %dma_wait3A_185 = arith.constant 0 : i32
          %dma_wait3A_186 = tpu.memref_slice %arg6[%add3A_174, %dma_wait3A_185] : memref<50176x16xf32, #tpu.memory_space<hbm>> -> memref<224x16xf32, #tpu.memory_space<hbm>>
          %dma_wait3A_187 = arith.constant 0 : i32
          %dma_wait3A_188 = tpu.memref_slice %arg6[%add3A_174, %dma_wait3A_187] : memref<50176x16xf32, #tpu.memory_space<hbm>> -> memref<224x16xf32, #tpu.memory_space<hbm>>
          tpu.wait_dma2 semaphore(%run_scoped3A_180 : memref<!tpu.dma_semaphore, #tpu.memory_space<semaphore_mem>>) src(%dma_wait3A_188 : memref<224x16xf32, #tpu.memory_space<hbm>>) dst(%arg17 : memref<224x16xf32, #tpu.memory_space<vmem>>)
          tpu.yield
        }) : () -> ()
        %scan3A_175 = arith.constant 0 : i32
        %scan3A_176 = arith.constant 224 : i32
        %scan3A_177 = arith.addi %scan3A_175, %scan3A_176 : i32
        %scan3A_178 = arith.constant 1 : i32
        scf.for %scan3A_180 = %scan3A_175 to %scan3A_177 step %scan3A_178  : i32 {
          %mul3A_181 = arith.constant 1 : i32
          %mul3A_182 = arith.muli %scan3A_180, %mul3A_181 : i32
          %add3A_183 = arith.constant 0 : i32
          %add3A_184 = arith.addi %add3A_183, %mul3A_182 : i32
          %get3A = arith.index_cast %add3A_184 : i32 to index
          %get3A_185 = arith.constant 0 : index
          %get3A_186 = tpu.vector_load %arg17[%get3A, %get3A_185] {strides = array<i32>} : memref<224x16xf32, #tpu.memory_space<vmem>>, vector<1x16xf32>,
          %get3A_187 = vector.shape_cast %get3A_186 : vector<1x16xf32> to vector<16xf32>
          %get3A_188 = arith.index_cast %add3A_184 : i32 to index
          %get3A_189 = arith.constant 0 : index
          %get3A_190 = tpu.vector_load %arg15[%get3A_188, %get3A_189] {strides = array<i32>} : memref<224x16xf32, #tpu.memory_space<vmem>>, vector<1x16xf32>,
          %get3A_191 = vector.shape_cast %get3A_190 : vector<1x16xf32> to vector<16xf32>
          %get3A_192 = arith.index_cast %add3A_184 : i32 to index
          %get3A_193 = arith.constant 0 : index
          %get3A_194 = tpu.vector_load %arg16[%get3A_192, %get3A_193] {strides = array<i32>} : memref<224x16xf32, #tpu.memory_space<vmem>>, vector<1x16xf32>,
          %get3A_195 = vector.shape_cast %get3A_194 : vector<1x16xf32> to vector<16xf32>
          %add3A_196 = arith.addf %get3A_191, %get3A_195 : vector<16xf32>
          %mul3A_197 = arith.mulf %get3A_187, %add3A_196 : vector<16xf32>
          %swap3A = arith.index_cast %add3A_184 : i32 to index
          %swap3A_198 = arith.constant 0 : index
          %swap3A_199 = tpu.vector_load %arg16[%swap3A, %swap3A_198] {strides = array<i32>} : memref<224x16xf32, #tpu.memory_space<vmem>>, vector<1x16xf32>,
          %swap3A_200 = vector.shape_cast %swap3A_199 : vector<1x16xf32> to vector<16xf32>
          %swap3A_201 = vector.shape_cast %mul3A_197 : vector<16xf32> to vector<1x16xf32>
          tpu.vector_store %arg16[%swap3A, %swap3A_198], %swap3A_201 {strides = array<i32>} : memref<224x16xf32, #tpu.memory_space<vmem>>, vector<1x16xf32>,
        }
        %scan3A_179 = arith.constant 224 : i32
        "tpu.region"() ({
          %run_scoped3A_180 = tpu.sem_alloc : memref<!tpu.dma_semaphore, #tpu.memory_space<semaphore_mem>>
          %dma_start3A_181 = arith.constant 0 : i32
          %dma_start3A_182 = tpu.memref_slice %arg10[%add3A_174, %dma_start3A_181] : memref<50176x16xf32, #tpu.memory_space<vmem_shared>> -> memref<224x16xf32, #tpu.memory_space<vmem_shared>>
          %dma_start3A_183 = arith.constant 0 : i32
          %dma_start3A_184 = tpu.memref_slice %arg10[%add3A_174, %dma_start3A_183] : memref<50176x16xf32, #tpu.memory_space<vmem_shared>> -> memref<224x16xf32, #tpu.memory_space<vmem_shared>>
          tpu.enqueue_dma source(%arg16 : memref<224x16xf32, #tpu.memory_space<vmem>>) target(%dma_start3A_184 : memref<224x16xf32, #tpu.memory_space<vmem_shared>>) target_semaphore(%run_scoped3A_180 : memref<!tpu.dma_semaphore, #tpu.memory_space<semaphore_mem>>)
          %dma_wait3A_185 = arith.constant 0 : i32
          %dma_wait3A_186 = tpu.memref_slice %arg10[%add3A_174, %dma_wait3A_185] : memref<50176x16xf32, #tpu.memory_space<vmem_shared>> -> memref<224x16xf32, #tpu.memory_space<vmem_shared>>
          %dma_wait3A_187 = arith.constant 0 : i32
          %dma_wait3A_188 = tpu.memref_slice %arg10[%add3A_174, %dma_wait3A_187] : memref<50176x16xf32, #tpu.memory_space<vmem_shared>> -> memref<224x16xf32, #tpu.memory_space<vmem_shared>>
          tpu.wait_dma2 semaphore(%run_scoped3A_180 : memref<!tpu.dma_semaphore, #tpu.memory_space<semaphore_mem>>) src(%arg16 : memref<224x16xf32, #tpu.memory_space<vmem>>) dst(%dma_wait3A_188 : memref<224x16xf32, #tpu.memory_space<vmem_shared>>)
          tpu.yield
        }) : () -> ()
        "tpu.region"() ({
          %run_scoped3A_180 = tpu.sem_alloc : memref<!tpu.dma_semaphore, #tpu.memory_space<semaphore_mem>>
          %dma_start3A_181 = arith.constant 0 : i32
          %dma_start3A_182 = tpu.memref_slice %arg5[%add3A_174, %dma_start3A_181] : memref<50176x16xf32, #tpu.memory_space<hbm>> -> memref<224x16xf32, #tpu.memory_space<hbm>>
          %dma_start3A_183 = arith.constant 0 : i32
          %dma_start3A_184 = tpu.memref_slice %arg5[%add3A_174, %dma_start3A_183] : memref<50176x16xf32, #tpu.memory_space<hbm>> -> memref<224x16xf32, #tpu.memory_space<hbm>>
          tpu.enqueue_dma source(%dma_start3A_184 : memref<224x16xf32, #tpu.memory_space<hbm>>) target(%arg15 : memref<224x16xf32, #tpu.memory_space<vmem>>) target_semaphore(%run_scoped3A_180 : memref<!tpu.dma_semaphore, #tpu.memory_space<semaphore_mem>>)
          %dma_wait3A_185 = arith.constant 0 : i32
          %dma_wait3A_186 = tpu.memref_slice %arg5[%add3A_174, %dma_wait3A_185] : memref<50176x16xf32, #tpu.memory_space<hbm>> -> memref<224x16xf32, #tpu.memory_space<hbm>>
          %dma_wait3A_187 = arith.constant 0 : i32
          %dma_wait3A_188 = tpu.memref_slice %arg5[%add3A_174, %dma_wait3A_187] : memref<50176x16xf32, #tpu.memory_space<hbm>> -> memref<224x16xf32, #tpu.memory_space<hbm>>
          tpu.wait_dma2 semaphore(%run_scoped3A_180 : memref<!tpu.dma_semaphore, #tpu.memory_space<semaphore_mem>>) src(%dma_wait3A_188 : memref<224x16xf32, #tpu.memory_space<hbm>>) dst(%arg15 : memref<224x16xf32, #tpu.memory_space<vmem>>)
          tpu.yield
        }) : () -> ()
        "tpu.region"() ({
          %run_scoped3A_180 = tpu.sem_alloc : memref<!tpu.dma_semaphore, #tpu.memory_space<semaphore_mem>>
          %dma_start3A_181 = arith.constant 0 : i32
          %dma_start3A_182 = tpu.memref_slice %arg11[%add3A_174, %dma_start3A_181] : memref<50176x16xf32, #tpu.memory_space<vmem_shared>> -> memref<224x16xf32, #tpu.memory_space<vmem_shared>>
          %dma_start3A_183 = arith.constant 0 : i32
          %dma_start3A_184 = tpu.memref_slice %arg11[%add3A_174, %dma_start3A_183] : memref<50176x16xf32, #tpu.memory_space<vmem_shared>> -> memref<224x16xf32, #tpu.memory_space<vmem_shared>>
          tpu.enqueue_dma source(%arg15 : memref<224x16xf32, #tpu.memory_space<vmem>>) target(%dma_start3A_184 : memref<224x16xf32, #tpu.memory_space<vmem_shared>>) target_semaphore(%run_scoped3A_180 : memref<!tpu.dma_semaphore, #tpu.memory_space<semaphore_mem>>)
          %dma_wait3A_185 = arith.constant 0 : i32
          %dma_wait3A_186 = tpu.memref_slice %arg11[%add3A_174, %dma_wait3A_185] : memref<50176x16xf32, #tpu.memory_space<vmem_shared>> -> memref<224x16xf32, #tpu.memory_space<vmem_shared>>
          %dma_wait3A_187 = arith.constant 0 : i32
          %dma_wait3A_188 = tpu.memref_slice %arg11[%add3A_174, %dma_wait3A_187] : memref<50176x16xf32, #tpu.memory_space<vmem_shared>> -> memref<224x16xf32, #tpu.memory_space<vmem_shared>>
          tpu.wait_dma2 semaphore(%run_scoped3A_180 : memref<!tpu.dma_semaphore, #tpu.memory_space<semaphore_mem>>) src(%arg15 : memref<224x16xf32, #tpu.memory_space<vmem>>) dst(%dma_wait3A_188 : memref<224x16xf32, #tpu.memory_space<vmem_shared>>)
          tpu.yield
        }) : () -> ()
      }
      %scan3A_165 = arith.constant 14 : i32
      %barrier3A_166 = arith.constant 0 : index
      tpu.barrier barrier_id(%barrier3A_166)
    }
    %scan3A_17 = arith.constant 10 : i32
    %scan3A_18 = arith.constant 0 : i32
    %scan3A_19 = arith.constant 14 : i32
    %scan3A_20 = arith.addi %scan3A_18, %scan3A_19 : i32
    %scan3A_21 = arith.constant 1 : i32
    scf.for %scan3A_26 = %scan3A_18 to %scan3A_20 step %scan3A_21  : i32 {
      %mul3A_27 = arith.constant 1 : i32
      %mul3A_28 = arith.muli %scan3A_26, %mul3A_27 : i32
      %add3A = arith.constant 0 : i32
      %add3A_29 = arith.addi %add3A, %mul3A_28 : i32
      %mul3A_30 = arith.constant 224 : i32
      %mul3A_31 = arith.muli %add3A_29, %mul3A_30 : i32
      %add3A_32 = arith.addi %mul3A_0, %mul3A_31 : i32
      "tpu.region"() ({
        %run_scoped3A = tpu.sem_alloc : memref<!tpu.dma_semaphore, #tpu.memory_space<semaphore_mem>>
        %dma_start3A = arith.constant 0 : i32
        %dma_start3A_38 = tpu.memref_slice %arg10[%add3A_32, %dma_start3A] : memref<50176x16xf32, #tpu.memory_space<vmem_shared>> -> memref<224x16xf32, #tpu.memory_space<vmem_shared>>
        %dma_start3A_39 = arith.constant 0 : i32
        %dma_start3A_40 = tpu.memref_slice %arg10[%add3A_32, %dma_start3A_39] : memref<50176x16xf32, #tpu.memory_space<vmem_shared>> -> memref<224x16xf32, #tpu.memory_space<vmem_shared>>
        tpu.enqueue_dma source(%dma_start3A_40 : memref<224x16xf32, #tpu.memory_space<vmem_shared>>) target(%arg16 : memref<224x16xf32, #tpu.memory_space<vmem>>) target_semaphore(%run_scoped3A : memref<!tpu.dma_semaphore, #tpu.memory_space<semaphore_mem>>)
        %dma_wait3A = arith.constant 0 : i32
        %dma_wait3A_41 = tpu.memref_slice %arg10[%add3A_32, %dma_wait3A] : memref<50176x16xf32, #tpu.memory_space<vmem_shared>> -> memref<224x16xf32, #tpu.memory_space<vmem_shared>>
        %dma_wait3A_42 = arith.constant 0 : i32
        %dma_wait3A_43 = tpu.memref_slice %arg10[%add3A_32, %dma_wait3A_42] : memref<50176x16xf32, #tpu.memory_space<vmem_shared>> -> memref<224x16xf32, #tpu.memory_space<vmem_shared>>
        tpu.wait_dma2 semaphore(%run_scoped3A : memref<!tpu.dma_semaphore, #tpu.memory_space<semaphore_mem>>) src(%dma_wait3A_43 : memref<224x16xf32, #tpu.memory_space<vmem_shared>>) dst(%arg16 : memref<224x16xf32, #tpu.memory_space<vmem>>)
        tpu.yield
      }) : () -> ()
      "tpu.region"() ({
        %run_scoped3A = tpu.sem_alloc : memref<!tpu.dma_semaphore, #tpu.memory_space<semaphore_mem>>
        %dma_start3A = arith.constant 0 : i32
        %dma_start3A_38 = tpu.memref_slice %arg7[%add3A_32, %dma_start3A] : memref<50176x16xf32, #tpu.memory_space<hbm>> -> memref<224x16xf32, #tpu.memory_space<hbm>>
        %dma_start3A_39 = arith.constant 0 : i32
        %dma_start3A_40 = tpu.memref_slice %arg7[%add3A_32, %dma_start3A_39] : memref<50176x16xf32, #tpu.memory_space<hbm>> -> memref<224x16xf32, #tpu.memory_space<hbm>>
        tpu.enqueue_dma source(%dma_start3A_40 : memref<224x16xf32, #tpu.memory_space<hbm>>) target(%arg17 : memref<224x16xf32, #tpu.memory_space<vmem>>) target_semaphore(%run_scoped3A : memref<!tpu.dma_semaphore, #tpu.memory_space<semaphore_mem>>)
        %dma_wait3A = arith.constant 0 : i32
        %dma_wait3A_41 = tpu.memref_slice %arg7[%add3A_32, %dma_wait3A] : memref<50176x16xf32, #tpu.memory_space<hbm>> -> memref<224x16xf32, #tpu.memory_space<hbm>>
        %dma_wait3A_42 = arith.constant 0 : i32
        %dma_wait3A_43 = tpu.memref_slice %arg7[%add3A_32, %dma_wait3A_42] : memref<50176x16xf32, #tpu.memory_space<hbm>> -> memref<224x16xf32, #tpu.memory_space<hbm>>
        tpu.wait_dma2 semaphore(%run_scoped3A : memref<!tpu.dma_semaphore, #tpu.memory_space<semaphore_mem>>) src(%dma_wait3A_43 : memref<224x16xf32, #tpu.memory_space<hbm>>) dst(%arg17 : memref<224x16xf32, #tpu.memory_space<vmem>>)
        tpu.yield
      }) : () -> ()
      %scan3A_33 = arith.constant 0 : i32
      %scan3A_34 = arith.constant 224 : i32
      %scan3A_35 = arith.addi %scan3A_33, %scan3A_34 : i32
      %scan3A_36 = arith.constant 1 : i32
      scf.for %scan3A_38 = %scan3A_33 to %scan3A_35 step %scan3A_36  : i32 {
        %mul3A_39 = arith.constant 1 : i32
        %mul3A_40 = arith.muli %scan3A_38, %mul3A_39 : i32
        %add3A_41 = arith.constant 0 : i32
        %add3A_42 = arith.addi %add3A_41, %mul3A_40 : i32
        %add3A_43 = arith.addi %add3A_32, %add3A_42 : i32
        %div3A = arith.constant 10000 : i32
        %div3A_44 = arith.divsi %add3A_43, %div3A : i32
        %get3A = arith.index_cast %div3A_44 : i32 to index
        %get3A_45 = arith.constant 0 : index
        %get3A_46 = tpu.vector_load %arg18[%get3A, %get3A_45] {strides = array<i32>} : memref<8x16xf32, #tpu.memory_space<vmem>>, vector<1x16xf32>,
        %get3A_47 = vector.shape_cast %get3A_46 : vector<1x16xf32> to vector<16xf32>
        %get3A_48 = arith.index_cast %add3A_42 : i32 to index
        %get3A_49 = arith.constant 0 : index
        %get3A_50 = tpu.vector_load %arg16[%get3A_48, %get3A_49] {strides = array<i32>} : memref<224x16xf32, #tpu.memory_space<vmem>>, vector<1x16xf32>,
        %get3A_51 = vector.shape_cast %get3A_50 : vector<1x16xf32> to vector<16xf32>
        %get3A_52 = arith.index_cast %add3A_42 : i32 to index
        %get3A_53 = arith.constant 0 : index
        %get3A_54 = tpu.vector_load %arg17[%get3A_52, %get3A_53] {strides = array<i32>} : memref<224x16xf32, #tpu.memory_space<vmem>>, vector<1x16xf32>,
        %get3A_55 = vector.shape_cast %get3A_54 : vector<1x16xf32> to vector<16xf32>
        %mul3A_56 = arith.mulf %get3A_51, %get3A_55 : vector<16xf32>
        %add3A_57 = arith.addf %get3A_47, %mul3A_56 : vector<16xf32>
        %swap3A = arith.index_cast %div3A_44 : i32 to index
        %swap3A_58 = arith.constant 0 : index
        %swap3A_59 = tpu.vector_load %arg18[%swap3A, %swap3A_58] {strides = array<i32>} : memref<8x16xf32, #tpu.memory_space<vmem>>, vector<1x16xf32>,
        %swap3A_60 = vector.shape_cast %swap3A_59 : vector<1x16xf32> to vector<16xf32>
        %swap3A_61 = vector.shape_cast %add3A_57 : vector<16xf32> to vector<1x16xf32>
        tpu.vector_store %arg18[%swap3A, %swap3A_58], %swap3A_61 {strides = array<i32>} : memref<8x16xf32, #tpu.memory_space<vmem>>, vector<1x16xf32>,
      }
      %scan3A_37 = arith.constant 224 : i32
    }
    %scan3A_22 = arith.constant 14 : i32
    "tpu.region"() ({
      %run_scoped3A = tpu.sem_alloc : memref<!tpu.dma_semaphore, #tpu.memory_space<semaphore_mem>>
      %dma_start3A = arith.constant 0 : i32
      %dma_start3A_26 = arith.constant 0 : i32
      %dma_start3A_27 = tpu.memref_slice %arg9[%arg1, %dma_start3A, %dma_start3A_26] : memref<16x8x16xf32, #tpu.memory_space<hbm>> -> memref<1x8x16xf32, #tpu.memory_space<hbm>>
      %dma_start3A_28 = tpu.memref_squeeze %dma_start3A_27 : memref<1x8x16xf32, #tpu.memory_space<hbm>> -> memref<8x16xf32, #tpu.memory_space<hbm>>
      %dma_start3A_29 = arith.constant 0 : i32
      %dma_start3A_30 = arith.constant 0 : i32
      %dma_start3A_31 = tpu.memref_slice %arg9[%arg1, %dma_start3A_29, %dma_start3A_30] : memref<16x8x16xf32, #tpu.memory_space<hbm>> -> memref<1x8x16xf32, #tpu.memory_space<hbm>>
      %dma_start3A_32 = tpu.memref_squeeze %dma_start3A_31 : memref<1x8x16xf32, #tpu.memory_space<hbm>> -> memref<8x16xf32, #tpu.memory_space<hbm>>
      tpu.enqueue_dma source(%arg18 : memref<8x16xf32, #tpu.memory_space<vmem>>) target(%dma_start3A_32 : memref<8x16xf32, #tpu.memory_space<hbm>>) target_semaphore(%run_scoped3A : memref<!tpu.dma_semaphore, #tpu.memory_space<semaphore_mem>>)
      %dma_wait3A = arith.constant 0 : i32
      %dma_wait3A_33 = arith.constant 0 : i32
      %dma_wait3A_34 = tpu.memref_slice %arg9[%arg1, %dma_wait3A, %dma_wait3A_33] : memref<16x8x16xf32, #tpu.memory_space<hbm>> -> memref<1x8x16xf32, #tpu.memory_space<hbm>>
      %dma_wait3A_35 = tpu.memref_squeeze %dma_wait3A_34 : memref<1x8x16xf32, #tpu.memory_space<hbm>> -> memref<8x16xf32, #tpu.memory_space<hbm>>
      %dma_wait3A_36 = arith.constant 0 : i32
      %dma_wait3A_37 = arith.constant 0 : i32
      %dma_wait3A_38 = tpu.memref_slice %arg9[%arg1, %dma_wait3A_36, %dma_wait3A_37] : memref<16x8x16xf32, #tpu.memory_space<hbm>> -> memref<1x8x16xf32, #tpu.memory_space<hbm>>
      %dma_wait3A_39 = tpu.memref_squeeze %dma_wait3A_38 : memref<1x8x16xf32, #tpu.memory_space<hbm>> -> memref<8x16xf32, #tpu.memory_space<hbm>>
      tpu.wait_dma2 semaphore(%run_scoped3A : memref<!tpu.dma_semaphore, #tpu.memory_space<semaphore_mem>>) src(%arg18 : memref<8x16xf32, #tpu.memory_space<vmem>>) dst(%dma_wait3A_39 : memref<8x16xf32, #tpu.memory_space<hbm>>)
      tpu.yield
    }) : () -> ()
    %barrier3A_23 = arith.constant 0 : index
    tpu.barrier barrier_id(%barrier3A_23)
    %eq3A = arith.constant 0 : i32
    %eq3A_24 = arith.cmpi eq, %arg1, %eq3A : i32
    %convert_element_type3A = arith.extui %eq3A_24 : i1 to i32
    %cond3A = arith.constant 0 : i32
    %cond3A_25 = arith.cmpi ne, %convert_element_type3A, %cond3A : i32
    scf.if %cond3A_25 {
      %scan3A_26 = arith.constant 0 : i32
      %scan3A_27 = arith.constant 15 : i32
      %scan3A_28 = arith.addi %scan3A_26, %scan3A_27 : i32
      %scan3A_29 = arith.constant 1 : i32
      scf.for %scan3A_31 = %scan3A_26 to %scan3A_28 step %scan3A_29  : i32 {
        %mul3A_32 = arith.constant 1 : i32
        %mul3A_33 = arith.muli %scan3A_31, %mul3A_32 : i32
        %add3A = arith.constant 1 : i32
        %add3A_34 = arith.addi %add3A, %mul3A_33 : i32
        "tpu.region"() ({
          %run_scoped3A = tpu.sem_alloc : memref<!tpu.dma_semaphore, #tpu.memory_space<semaphore_mem>>
          %dma_start3A = arith.constant 0 : i32
          %dma_start3A_40 = arith.constant 0 : i32
          %dma_start3A_41 = tpu.memref_slice %arg9[%add3A_34, %dma_start3A, %dma_start3A_40] : memref<16x8x16xf32, #tpu.memory_space<hbm>> -> memref<1x8x16xf32, #tpu.memory_space<hbm>>
          %dma_start3A_42 = tpu.memref_squeeze %dma_start3A_41 : memref<1x8x16xf32, #tpu.memory_space<hbm>> -> memref<8x16xf32, #tpu.memory_space<hbm>>
          %dma_start3A_43 = arith.constant 0 : i32
          %dma_start3A_44 = arith.constant 0 : i32
          %dma_start3A_45 = tpu.memref_slice %arg9[%add3A_34, %dma_start3A_43, %dma_start3A_44] : memref<16x8x16xf32, #tpu.memory_space<hbm>> -> memref<1x8x16xf32, #tpu.memory_space<hbm>>
          %dma_start3A_46 = tpu.memref_squeeze %dma_start3A_45 : memref<1x8x16xf32, #tpu.memory_space<hbm>> -> memref<8x16xf32, #tpu.memory_space<hbm>>
          tpu.enqueue_dma source(%dma_start3A_46 : memref<8x16xf32, #tpu.memory_space<hbm>>) target(%arg19 : memref<8x16xf32, #tpu.memory_space<vmem>>) target_semaphore(%run_scoped3A : memref<!tpu.dma_semaphore, #tpu.memory_space<semaphore_mem>>)
          %dma_wait3A = arith.constant 0 : i32
          %dma_wait3A_47 = arith.constant 0 : i32
          %dma_wait3A_48 = tpu.memref_slice %arg9[%add3A_34, %dma_wait3A, %dma_wait3A_47] : memref<16x8x16xf32, #tpu.memory_space<hbm>> -> memref<1x8x16xf32, #tpu.memory_space<hbm>>
          %dma_wait3A_49 = tpu.memref_squeeze %dma_wait3A_48 : memref<1x8x16xf32, #tpu.memory_space<hbm>> -> memref<8x16xf32, #tpu.memory_space<hbm>>
          %dma_wait3A_50 = arith.constant 0 : i32
          %dma_wait3A_51 = arith.constant 0 : i32
          %dma_wait3A_52 = tpu.memref_slice %arg9[%add3A_34, %dma_wait3A_50, %dma_wait3A_51] : memref<16x8x16xf32, #tpu.memory_space<hbm>> -> memref<1x8x16xf32, #tpu.memory_space<hbm>>
          %dma_wait3A_53 = tpu.memref_squeeze %dma_wait3A_52 : memref<1x8x16xf32, #tpu.memory_space<hbm>> -> memref<8x16xf32, #tpu.memory_space<hbm>>
          tpu.wait_dma2 semaphore(%run_scoped3A : memref<!tpu.dma_semaphore, #tpu.memory_space<semaphore_mem>>) src(%dma_wait3A_53 : memref<8x16xf32, #tpu.memory_space<hbm>>) dst(%arg19 : memref<8x16xf32, #tpu.memory_space<vmem>>)
          tpu.yield
        }) : () -> ()
        %scan3A_35 = arith.constant 0 : i32
        %scan3A_36 = arith.constant 8 : i32
        %scan3A_37 = arith.addi %scan3A_35, %scan3A_36 : i32
        %scan3A_38 = arith.constant 1 : i32
        scf.for %scan3A_40 = %scan3A_35 to %scan3A_37 step %scan3A_38  : i32 {
          %mul3A_41 = arith.constant 1 : i32
          %mul3A_42 = arith.muli %scan3A_40, %mul3A_41 : i32
          %add3A_43 = arith.constant 0 : i32
          %add3A_44 = arith.addi %add3A_43, %mul3A_42 : i32
          %get3A = arith.index_cast %add3A_44 : i32 to index
          %get3A_45 = arith.constant 0 : index
          %get3A_46 = tpu.vector_load %arg18[%get3A, %get3A_45] {strides = array<i32>} : memref<8x16xf32, #tpu.memory_space<vmem>>, vector<1x16xf32>,
          %get3A_47 = vector.shape_cast %get3A_46 : vector<1x16xf32> to vector<16xf32>
          %get3A_48 = arith.index_cast %add3A_44 : i32 to index
          %get3A_49 = arith.constant 0 : index
          %get3A_50 = tpu.vector_load %arg19[%get3A_48, %get3A_49] {strides = array<i32>} : memref<8x16xf32, #tpu.memory_space<vmem>>, vector<1x16xf32>,
          %get3A_51 = vector.shape_cast %get3A_50 : vector<1x16xf32> to vector<16xf32>
          %add3A_52 = arith.addf %get3A_47, %get3A_51 : vector<16xf32>
          %swap3A = arith.index_cast %add3A_44 : i32 to index
          %swap3A_53 = arith.constant 0 : index
          %swap3A_54 = tpu.vector_load %arg18[%swap3A, %swap3A_53] {strides = array<i32>} : memref<8x16xf32, #tpu.memory_space<vmem>>, vector<1x16xf32>,
          %swap3A_55 = vector.shape_cast %swap3A_54 : vector<1x16xf32> to vector<16xf32>
          %swap3A_56 = vector.shape_cast %add3A_52 : vector<16xf32> to vector<1x16xf32>
          tpu.vector_store %arg18[%swap3A, %swap3A_53], %swap3A_56 {strides = array<i32>} : memref<8x16xf32, #tpu.memory_space<vmem>>, vector<1x16xf32>,
        }
        %scan3A_39 = arith.constant 8 : i32
      }
      %scan3A_30 = arith.constant 15 : i32
      "tpu.region"() ({
        %run_scoped3A = tpu.sem_alloc : memref<!tpu.dma_semaphore, #tpu.memory_space<semaphore_mem>>
        %dma_start3A = arith.constant 0 : i32
        %dma_start3A_31 = arith.constant 0 : i32
        %dma_start3A_32 = tpu.memref_slice %arg18[%dma_start3A, %dma_start3A_31] : memref<8x16xf32, #tpu.memory_space<vmem>> -> memref<5x16xf32, #tpu.memory_space<vmem>>
        %dma_start3A_33 = arith.constant 0 : i32
        %dma_start3A_34 = arith.constant 0 : i32
        %dma_start3A_35 = tpu.memref_slice %arg18[%dma_start3A_33, %dma_start3A_34] : memref<8x16xf32, #tpu.memory_space<vmem>> -> memref<5x16xf32, #tpu.memory_space<vmem>>
        tpu.enqueue_dma source(%dma_start3A_35 : memref<5x16xf32, #tpu.memory_space<vmem>>) target(%arg8 : memref<5x16xf32, #tpu.memory_space<hbm>>) target_semaphore(%run_scoped3A : memref<!tpu.dma_semaphore, #tpu.memory_space<semaphore_mem>>)
        %dma_wait3A = arith.constant 0 : i32
        %dma_wait3A_36 = arith.constant 0 : i32
        %dma_wait3A_37 = tpu.memref_slice %arg18[%dma_wait3A, %dma_wait3A_36] : memref<8x16xf32, #tpu.memory_space<vmem>> -> memref<5x16xf32, #tpu.memory_space<vmem>>
        %dma_wait3A_38 = arith.constant 0 : i32
        %dma_wait3A_39 = arith.constant 0 : i32
        %dma_wait3A_40 = tpu.memref_slice %arg18[%dma_wait3A_38, %dma_wait3A_39] : memref<8x16xf32, #tpu.memory_space<vmem>> -> memref<5x16xf32, #tpu.memory_space<vmem>>
        tpu.wait_dma2 semaphore(%run_scoped3A : memref<!tpu.dma_semaphore, #tpu.memory_space<semaphore_mem>>) src(%dma_wait3A_40 : memref<5x16xf32, #tpu.memory_space<vmem>>) dst(%arg8 : memref<5x16xf32, #tpu.memory_space<hbm>>)
        tpu.yield
      }) : () -> ()
    } else {
    }
    return
  }
}

#map = affine_map<(d0, d1) -> (0, 0)>
#map1 = affine_map<(d0, d1) -> (0, 0, 0)>
module attributes {stable_mosaic.version = 14 : i64} {
  func.func @_deg_body(%arg0: i32, %arg1: i32, %arg2: memref<12544x128xi32, #tpu.memory_space<hbm>>, %arg3: memref<2x50176x16xf32, #tpu.memory_space<hbm>>, %arg4: memref<50176x16xf32, #tpu.memory_space<vmem_shared>>, %arg5: memref<16x128xi32, #tpu.memory_space<vmem>>, %arg6: memref<128x16xf32, #tpu.memory_space<vmem>>, %arg7: memref<224x16xf32, #tpu.memory_space<vmem>>) attributes {dimension_semantics = [#tpu.dimension_semantics<core_parallel>, #tpu.dimension_semantics<subcore_parallel>], iteration_bounds = array<i64: 2, 16>, scalar_prefetch = 0 : i64, scratch_operands = 4 : i64, tpu.core_type = #tpu.core_type<sc_vector_subcore>, window_params = [{transform_indices = #map}, {transform_indices = #map1}]} {
    %mul3A = arith.constant 16 : i32
    %mul3A_0 = arith.muli %arg0, %mul3A : i32
    %add3A = arith.addi %mul3A_0, %arg1 : i32
    %mul3A_1 = arith.constant 3136 : i32
    %mul3A_2 = arith.muli %arg1, %mul3A_1 : i32
    %broadcast_in_dim3A = arith.constant 0.000000e+00 : f32
    %broadcast_in_dim3A_3 = vector.broadcast %broadcast_in_dim3A : f32 to vector<16xf32>
    %broadcast_in_dim3A_4 = arith.constant 1.000000e+00 : f32
    %broadcast_in_dim3A_5 = vector.broadcast %broadcast_in_dim3A_4 : f32 to vector<16xf32>
    %scan3A = arith.constant 0 : i32
    %scan3A_6 = arith.constant 224 : i32
    %scan3A_7 = arith.addi %scan3A, %scan3A_6 : i32
    %scan3A_8 = arith.constant 1 : i32
    scf.for %scan3A_35 = %scan3A to %scan3A_7 step %scan3A_8  : i32 {
      %mul3A_36 = arith.constant 1 : i32
      %mul3A_37 = arith.muli %scan3A_35, %mul3A_36 : i32
      %add3A_38 = arith.constant 0 : i32
      %add3A_39 = arith.addi %add3A_38, %mul3A_37 : i32
      %swap3A = arith.index_cast %add3A_39 : i32 to index
      %swap3A_40 = arith.constant 0 : index
      %swap3A_41 = tpu.vector_load %arg7[%swap3A, %swap3A_40] {strides = array<i32>} : memref<224x16xf32, #tpu.memory_space<vmem>>, vector<1x16xf32>,
      %swap3A_42 = vector.shape_cast %swap3A_41 : vector<1x16xf32> to vector<16xf32>
      %swap3A_43 = vector.shape_cast %broadcast_in_dim3A_3 : vector<16xf32> to vector<1x16xf32>
      tpu.vector_store %arg7[%swap3A, %swap3A_40], %swap3A_43 {strides = array<i32>} : memref<224x16xf32, #tpu.memory_space<vmem>>, vector<1x16xf32>,
    }
    %scan3A_9 = arith.constant 224 : i32
    %scan3A_10 = arith.constant 0 : i32
    %scan3A_11 = arith.constant 128 : i32
    %scan3A_12 = arith.addi %scan3A_10, %scan3A_11 : i32
    %scan3A_13 = arith.constant 1 : i32
    scf.for %scan3A_35 = %scan3A_10 to %scan3A_12 step %scan3A_13  : i32 {
      %mul3A_36 = arith.constant 1 : i32
      %mul3A_37 = arith.muli %scan3A_35, %mul3A_36 : i32
      %add3A_38 = arith.constant 0 : i32
      %add3A_39 = arith.addi %add3A_38, %mul3A_37 : i32
      %swap3A = arith.index_cast %add3A_39 : i32 to index
      %swap3A_40 = arith.constant 0 : index
      %swap3A_41 = tpu.vector_load %arg6[%swap3A, %swap3A_40] {strides = array<i32>} : memref<128x16xf32, #tpu.memory_space<vmem>>, vector<1x16xf32>,
      %swap3A_42 = vector.shape_cast %swap3A_41 : vector<1x16xf32> to vector<16xf32>
      %swap3A_43 = vector.shape_cast %broadcast_in_dim3A_5 : vector<16xf32> to vector<1x16xf32>
      tpu.vector_store %arg6[%swap3A, %swap3A_40], %swap3A_43 {strides = array<i32>} : memref<128x16xf32, #tpu.memory_space<vmem>>, vector<1x16xf32>,
    }
    %scan3A_14 = arith.constant 128 : i32
    %scan3A_15 = arith.constant 0 : i32
    %scan3A_16 = arith.constant 14 : i32
    %scan3A_17 = arith.addi %scan3A_15, %scan3A_16 : i32
    %scan3A_18 = arith.constant 1 : i32
    scf.for %scan3A_35 = %scan3A_15 to %scan3A_17 step %scan3A_18  : i32 {
      %mul3A_36 = arith.constant 1 : i32
      %mul3A_37 = arith.muli %scan3A_35, %mul3A_36 : i32
      %add3A_38 = arith.constant 0 : i32
      %add3A_39 = arith.addi %add3A_38, %mul3A_37 : i32
      %mul3A_40 = arith.constant 224 : i32
      %mul3A_41 = arith.muli %add3A_39, %mul3A_40 : i32
      %add3A_42 = arith.addi %mul3A_2, %mul3A_41 : i32
      "tpu.region"() ({
        %run_scoped3A = tpu.sem_alloc : memref<!tpu.dma_semaphore, #tpu.memory_space<semaphore_mem>>
        %dma_start3A = arith.constant 0 : i32
        %dma_start3A_43 = tpu.memref_slice %arg4[%add3A_42, %dma_start3A] : memref<50176x16xf32, #tpu.memory_space<vmem_shared>> -> memref<224x16xf32, #tpu.memory_space<vmem_shared>>
        %dma_start3A_44 = arith.constant 0 : i32
        %dma_start3A_45 = tpu.memref_slice %arg4[%add3A_42, %dma_start3A_44] : memref<50176x16xf32, #tpu.memory_space<vmem_shared>> -> memref<224x16xf32, #tpu.memory_space<vmem_shared>>
        tpu.enqueue_dma source(%arg7 : memref<224x16xf32, #tpu.memory_space<vmem>>) target(%dma_start3A_45 : memref<224x16xf32, #tpu.memory_space<vmem_shared>>) target_semaphore(%run_scoped3A : memref<!tpu.dma_semaphore, #tpu.memory_space<semaphore_mem>>)
        %dma_wait3A = arith.constant 0 : i32
        %dma_wait3A_46 = tpu.memref_slice %arg4[%add3A_42, %dma_wait3A] : memref<50176x16xf32, #tpu.memory_space<vmem_shared>> -> memref<224x16xf32, #tpu.memory_space<vmem_shared>>
        %dma_wait3A_47 = arith.constant 0 : i32
        %dma_wait3A_48 = tpu.memref_slice %arg4[%add3A_42, %dma_wait3A_47] : memref<50176x16xf32, #tpu.memory_space<vmem_shared>> -> memref<224x16xf32, #tpu.memory_space<vmem_shared>>
        tpu.wait_dma2 semaphore(%run_scoped3A : memref<!tpu.dma_semaphore, #tpu.memory_space<semaphore_mem>>) src(%arg7 : memref<224x16xf32, #tpu.memory_space<vmem>>) dst(%dma_wait3A_48 : memref<224x16xf32, #tpu.memory_space<vmem_shared>>)
        tpu.yield
      }) : () -> ()
    }
    %scan3A_19 = arith.constant 14 : i32
    %barrier3A = arith.constant 0 : index
    tpu.barrier barrier_id(%barrier3A)
    %mul3A_20 = arith.constant 392 : i32
    %mul3A_21 = arith.muli %add3A, %mul3A_20 : i32
    %scan3A_22 = arith.constant 0 : i32
    %scan3A_23 = arith.constant 24 : i32
    %scan3A_24 = arith.addi %scan3A_22, %scan3A_23 : i32
    %scan3A_25 = arith.constant 1 : i32
    scf.for %scan3A_35 = %scan3A_22 to %scan3A_24 step %scan3A_25  : i32 {
      %mul3A_36 = arith.constant 1 : i32
      %mul3A_37 = arith.muli %scan3A_35, %mul3A_36 : i32
      %add3A_38 = arith.constant 0 : i32
      %add3A_39 = arith.addi %add3A_38, %mul3A_37 : i32
      %mul3A_40 = arith.constant 16 : i32
      %mul3A_41 = arith.muli %add3A_39, %mul3A_40 : i32
      %add3A_42 = arith.addi %mul3A_21, %mul3A_41 : i32
      "tpu.region"() ({
        %run_scoped3A = tpu.sem_alloc : memref<!tpu.dma_semaphore, #tpu.memory_space<semaphore_mem>>
        %dma_start3A = arith.constant 0 : i32
        %dma_start3A_48 = arith.constant 0 : i32
        %dma_start3A_49 = tpu.memref_slice %arg5[%dma_start3A, %dma_start3A_48] : memref<16x128xi32, #tpu.memory_space<vmem>> -> memref<16x128xi32, #tpu.memory_space<vmem>>
        %dma_start3A_50 = arith.constant 0 : i32
        %dma_start3A_51 = tpu.memref_slice %arg2[%add3A_42, %dma_start3A_50] : memref<12544x128xi32, #tpu.memory_space<hbm>> -> memref<16x128xi32, #tpu.memory_space<hbm>>
        %dma_start3A_52 = arith.constant 0 : i32
        %dma_start3A_53 = arith.constant 0 : i32
        %dma_start3A_54 = tpu.memref_slice %arg5[%dma_start3A_52, %dma_start3A_53] : memref<16x128xi32, #tpu.memory_space<vmem>> -> memref<16x128xi32, #tpu.memory_space<vmem>>
        %dma_start3A_55 = arith.constant 0 : i32
        %dma_start3A_56 = tpu.memref_slice %arg2[%add3A_42, %dma_start3A_55] : memref<12544x128xi32, #tpu.memory_space<hbm>> -> memref<16x128xi32, #tpu.memory_space<hbm>>
        tpu.enqueue_dma source(%dma_start3A_56 : memref<16x128xi32, #tpu.memory_space<hbm>>) target(%dma_start3A_54 : memref<16x128xi32, #tpu.memory_space<vmem>>) target_semaphore(%run_scoped3A : memref<!tpu.dma_semaphore, #tpu.memory_space<semaphore_mem>>)
        %dma_wait3A = arith.constant 0 : i32
        %dma_wait3A_57 = arith.constant 0 : i32
        %dma_wait3A_58 = tpu.memref_slice %arg5[%dma_wait3A, %dma_wait3A_57] : memref<16x128xi32, #tpu.memory_space<vmem>> -> memref<16x128xi32, #tpu.memory_space<vmem>>
        %dma_wait3A_59 = arith.constant 0 : i32
        %dma_wait3A_60 = tpu.memref_slice %arg2[%add3A_42, %dma_wait3A_59] : memref<12544x128xi32, #tpu.memory_space<hbm>> -> memref<16x128xi32, #tpu.memory_space<hbm>>
        %dma_wait3A_61 = arith.constant 0 : i32
        %dma_wait3A_62 = arith.constant 0 : i32
        %dma_wait3A_63 = tpu.memref_slice %arg5[%dma_wait3A_61, %dma_wait3A_62] : memref<16x128xi32, #tpu.memory_space<vmem>> -> memref<16x128xi32, #tpu.memory_space<vmem>>
        %dma_wait3A_64 = arith.constant 0 : i32
        %dma_wait3A_65 = tpu.memref_slice %arg2[%add3A_42, %dma_wait3A_64] : memref<12544x128xi32, #tpu.memory_space<hbm>> -> memref<16x128xi32, #tpu.memory_space<hbm>>
        tpu.wait_dma2 semaphore(%run_scoped3A : memref<!tpu.dma_semaphore, #tpu.memory_space<semaphore_mem>>) src(%dma_wait3A_65 : memref<16x128xi32, #tpu.memory_space<hbm>>) dst(%dma_wait3A_63 : memref<16x128xi32, #tpu.memory_space<vmem>>)
        tpu.yield
      }) : () -> ()
      %scan3A_43 = arith.constant 0 : i32
      %scan3A_44 = arith.constant 16 : i32
      %scan3A_45 = arith.addi %scan3A_43, %scan3A_44 : i32
      %scan3A_46 = arith.constant 1 : i32
      scf.for %scan3A_48 = %scan3A_43 to %scan3A_45 step %scan3A_46  : i32 {
        %mul3A_49 = arith.constant 1 : i32
        %mul3A_50 = arith.muli %scan3A_48, %mul3A_49 : i32
        %add3A_51 = arith.constant 0 : i32
        %add3A_52 = arith.addi %add3A_51, %mul3A_50 : i32
        "tpu.region"() ({
          %run_scoped3A = tpu.sem_alloc : memref<!tpu.dma_semaphore, #tpu.memory_space<semaphore_mem>>
          %dma_start3A = arith.constant 0 : i32
          %dma_start3A_53 = tpu.memref_slice %arg5[%add3A_52, %dma_start3A] : memref<16x128xi32, #tpu.memory_space<vmem>> -> memref<1x128xi32, #tpu.memory_space<vmem>>
          %dma_start3A_54 = tpu.memref_squeeze %dma_start3A_53 : memref<1x128xi32, #tpu.memory_space<vmem>> -> memref<128xi32, #tpu.memory_space<vmem>>
          %dma_start3A_55 = arith.constant 0 : i32
          %dma_start3A_56 = arith.constant 0 : i32
          %dma_start3A_57 = tpu.memref_slice %arg4[%dma_start3A_55, %dma_start3A_56] : memref<50176x16xf32, #tpu.memory_space<vmem_shared>> -> memref<50176x16xf32, #tpu.memory_space<vmem_shared>>
          tpu.enqueue_indirect_dma source(%arg6 : memref<128x16xf32, #tpu.memory_space<vmem>>) target(%dma_start3A_57 : memref<50176x16xf32, #tpu.memory_space<vmem_shared>>) offsets(%dma_start3A_54 : memref<128xi32, #tpu.memory_space<vmem>>) semaphore(%run_scoped3A : memref<!tpu.dma_semaphore, #tpu.memory_space<semaphore_mem>>) {add = true}
          %dma_wait3A = arith.constant 0 : i32
          %dma_wait3A_58 = tpu.memref_slice %arg5[%add3A_52, %dma_wait3A] : memref<16x128xi32, #tpu.memory_space<vmem>> -> memref<1x128xi32, #tpu.memory_space<vmem>>
          %dma_wait3A_59 = tpu.memref_squeeze %dma_wait3A_58 : memref<1x128xi32, #tpu.memory_space<vmem>> -> memref<128xi32, #tpu.memory_space<vmem>>
          %dma_wait3A_60 = arith.constant 0 : i32
          %dma_wait3A_61 = arith.constant 0 : i32
          %dma_wait3A_62 = tpu.memref_slice %arg4[%dma_wait3A_60, %dma_wait3A_61] : memref<50176x16xf32, #tpu.memory_space<vmem_shared>> -> memref<50176x16xf32, #tpu.memory_space<vmem_shared>>
          tpu.wait_indirect_dma semaphore(%run_scoped3A : memref<!tpu.dma_semaphore, #tpu.memory_space<semaphore_mem>>) src(%arg6 : memref<128x16xf32, #tpu.memory_space<vmem>>) dst(%dma_wait3A_62 : memref<50176x16xf32, #tpu.memory_space<vmem_shared>>)
          tpu.yield
        }) : () -> ()
      }
      %scan3A_47 = arith.constant 16 : i32
    }
    %scan3A_26 = arith.constant 24 : i32
    %add3A_27 = arith.constant 384 : i32
    %add3A_28 = arith.addi %mul3A_21, %add3A_27 : i32
    "tpu.region"() ({
      %run_scoped3A = tpu.sem_alloc : memref<!tpu.dma_semaphore, #tpu.memory_space<semaphore_mem>>
      %dma_start3A = arith.constant 0 : i32
      %dma_start3A_35 = arith.constant 0 : i32
      %dma_start3A_36 = tpu.memref_slice %arg5[%dma_start3A, %dma_start3A_35] : memref<16x128xi32, #tpu.memory_space<vmem>> -> memref<8x128xi32, #tpu.memory_space<vmem>>
      %dma_start3A_37 = arith.constant 0 : i32
      %dma_start3A_38 = tpu.memref_slice %arg2[%add3A_28, %dma_start3A_37] : memref<12544x128xi32, #tpu.memory_space<hbm>> -> memref<8x128xi32, #tpu.memory_space<hbm>>
      %dma_start3A_39 = arith.constant 0 : i32
      %dma_start3A_40 = arith.constant 0 : i32
      %dma_start3A_41 = tpu.memref_slice %arg5[%dma_start3A_39, %dma_start3A_40] : memref<16x128xi32, #tpu.memory_space<vmem>> -> memref<8x128xi32, #tpu.memory_space<vmem>>
      %dma_start3A_42 = arith.constant 0 : i32
      %dma_start3A_43 = tpu.memref_slice %arg2[%add3A_28, %dma_start3A_42] : memref<12544x128xi32, #tpu.memory_space<hbm>> -> memref<8x128xi32, #tpu.memory_space<hbm>>
      tpu.enqueue_dma source(%dma_start3A_43 : memref<8x128xi32, #tpu.memory_space<hbm>>) target(%dma_start3A_41 : memref<8x128xi32, #tpu.memory_space<vmem>>) target_semaphore(%run_scoped3A : memref<!tpu.dma_semaphore, #tpu.memory_space<semaphore_mem>>)
      %dma_wait3A = arith.constant 0 : i32
      %dma_wait3A_44 = arith.constant 0 : i32
      %dma_wait3A_45 = tpu.memref_slice %arg5[%dma_wait3A, %dma_wait3A_44] : memref<16x128xi32, #tpu.memory_space<vmem>> -> memref<8x128xi32, #tpu.memory_space<vmem>>
      %dma_wait3A_46 = arith.constant 0 : i32
      %dma_wait3A_47 = tpu.memref_slice %arg2[%add3A_28, %dma_wait3A_46] : memref<12544x128xi32, #tpu.memory_space<hbm>> -> memref<8x128xi32, #tpu.memory_space<hbm>>
      %dma_wait3A_48 = arith.constant 0 : i32
      %dma_wait3A_49 = arith.constant 0 : i32
      %dma_wait3A_50 = tpu.memref_slice %arg5[%dma_wait3A_48, %dma_wait3A_49] : memref<16x128xi32, #tpu.memory_space<vmem>> -> memref<8x128xi32, #tpu.memory_space<vmem>>
      %dma_wait3A_51 = arith.constant 0 : i32
      %dma_wait3A_52 = tpu.memref_slice %arg2[%add3A_28, %dma_wait3A_51] : memref<12544x128xi32, #tpu.memory_space<hbm>> -> memref<8x128xi32, #tpu.memory_space<hbm>>
      tpu.wait_dma2 semaphore(%run_scoped3A : memref<!tpu.dma_semaphore, #tpu.memory_space<semaphore_mem>>) src(%dma_wait3A_52 : memref<8x128xi32, #tpu.memory_space<hbm>>) dst(%dma_wait3A_50 : memref<8x128xi32, #tpu.memory_space<vmem>>)
      tpu.yield
    }) : () -> ()
    %scan3A_29 = arith.constant 0 : i32
    %scan3A_30 = arith.constant 8 : i32
    %scan3A_31 = arith.addi %scan3A_29, %scan3A_30 : i32
    %scan3A_32 = arith.constant 1 : i32
    scf.for %scan3A_35 = %scan3A_29 to %scan3A_31 step %scan3A_32  : i32 {
      %mul3A_36 = arith.constant 1 : i32
      %mul3A_37 = arith.muli %scan3A_35, %mul3A_36 : i32
      %add3A_38 = arith.constant 0 : i32
      %add3A_39 = arith.addi %add3A_38, %mul3A_37 : i32
      "tpu.region"() ({
        %run_scoped3A = tpu.sem_alloc : memref<!tpu.dma_semaphore, #tpu.memory_space<semaphore_mem>>
        %dma_start3A = arith.constant 0 : i32
        %dma_start3A_40 = tpu.memref_slice %arg5[%add3A_39, %dma_start3A] : memref<16x128xi32, #tpu.memory_space<vmem>> -> memref<1x128xi32, #tpu.memory_space<vmem>>
        %dma_start3A_41 = tpu.memref_squeeze %dma_start3A_40 : memref<1x128xi32, #tpu.memory_space<vmem>> -> memref<128xi32, #tpu.memory_space<vmem>>
        %dma_start3A_42 = arith.constant 0 : i32
        %dma_start3A_43 = arith.constant 0 : i32
        %dma_start3A_44 = tpu.memref_slice %arg4[%dma_start3A_42, %dma_start3A_43] : memref<50176x16xf32, #tpu.memory_space<vmem_shared>> -> memref<50176x16xf32, #tpu.memory_space<vmem_shared>>
        tpu.enqueue_indirect_dma source(%arg6 : memref<128x16xf32, #tpu.memory_space<vmem>>) target(%dma_start3A_44 : memref<50176x16xf32, #tpu.memory_space<vmem_shared>>) offsets(%dma_start3A_41 : memref<128xi32, #tpu.memory_space<vmem>>) semaphore(%run_scoped3A : memref<!tpu.dma_semaphore, #tpu.memory_space<semaphore_mem>>) {add = true}
        %dma_wait3A = arith.constant 0 : i32
        %dma_wait3A_45 = tpu.memref_slice %arg5[%add3A_39, %dma_wait3A] : memref<16x128xi32, #tpu.memory_space<vmem>> -> memref<1x128xi32, #tpu.memory_space<vmem>>
        %dma_wait3A_46 = tpu.memref_squeeze %dma_wait3A_45 : memref<1x128xi32, #tpu.memory_space<vmem>> -> memref<128xi32, #tpu.memory_space<vmem>>
        %dma_wait3A_47 = arith.constant 0 : i32
        %dma_wait3A_48 = arith.constant 0 : i32
        %dma_wait3A_49 = tpu.memref_slice %arg4[%dma_wait3A_47, %dma_wait3A_48] : memref<50176x16xf32, #tpu.memory_space<vmem_shared>> -> memref<50176x16xf32, #tpu.memory_space<vmem_shared>>
        tpu.wait_indirect_dma semaphore(%run_scoped3A : memref<!tpu.dma_semaphore, #tpu.memory_space<semaphore_mem>>) src(%arg6 : memref<128x16xf32, #tpu.memory_space<vmem>>) dst(%dma_wait3A_49 : memref<50176x16xf32, #tpu.memory_space<vmem_shared>>)
        tpu.yield
      }) : () -> ()
    }
    %scan3A_33 = arith.constant 8 : i32
    %barrier3A_34 = arith.constant 0 : index
    tpu.barrier barrier_id(%barrier3A_34)
    "tpu.region"() ({
      %run_scoped3A = tpu.sem_alloc : memref<!tpu.dma_semaphore, #tpu.memory_space<semaphore_mem>>
      %dma_start3A = arith.constant 0 : i32
      %dma_start3A_35 = tpu.memref_slice %arg3[%arg0, %mul3A_2, %dma_start3A] : memref<2x50176x16xf32, #tpu.memory_space<hbm>> -> memref<1x3136x16xf32, #tpu.memory_space<hbm>>
      %dma_start3A_36 = tpu.memref_squeeze %dma_start3A_35 : memref<1x3136x16xf32, #tpu.memory_space<hbm>> -> memref<3136x16xf32, #tpu.memory_space<hbm>>
      %dma_start3A_37 = arith.constant 0 : i32
      %dma_start3A_38 = tpu.memref_slice %arg4[%mul3A_2, %dma_start3A_37] : memref<50176x16xf32, #tpu.memory_space<vmem_shared>> -> memref<3136x16xf32, #tpu.memory_space<vmem_shared>>
      tpu.enqueue_dma source(%dma_start3A_38 : memref<3136x16xf32, #tpu.memory_space<vmem_shared>>) target(%dma_start3A_36 : memref<3136x16xf32, #tpu.memory_space<hbm>>) target_semaphore(%run_scoped3A : memref<!tpu.dma_semaphore, #tpu.memory_space<semaphore_mem>>)
      %dma_wait3A = arith.constant 0 : i32
      %dma_wait3A_39 = tpu.memref_slice %arg3[%arg0, %mul3A_2, %dma_wait3A] : memref<2x50176x16xf32, #tpu.memory_space<hbm>> -> memref<1x3136x16xf32, #tpu.memory_space<hbm>>
      %dma_wait3A_40 = tpu.memref_squeeze %dma_wait3A_39 : memref<1x3136x16xf32, #tpu.memory_space<hbm>> -> memref<3136x16xf32, #tpu.memory_space<hbm>>
      %dma_wait3A_41 = arith.constant 0 : i32
      %dma_wait3A_42 = tpu.memref_slice %arg4[%mul3A_2, %dma_wait3A_41] : memref<50176x16xf32, #tpu.memory_space<vmem_shared>> -> memref<3136x16xf32, #tpu.memory_space<vmem_shared>>
      tpu.wait_dma2 semaphore(%run_scoped3A : memref<!tpu.dma_semaphore, #tpu.memory_space<semaphore_mem>>) src(%dma_wait3A_42 : memref<3136x16xf32, #tpu.memory_space<vmem_shared>>) dst(%dma_wait3A_40 : memref<3136x16xf32, #tpu.memory_space<hbm>>)
      tpu.yield
    }) : () -> ()
    return
  }
}

module attributes {stable_mosaic.version = 14 : i64} {
  func.func @_prep_body(%arg0: i32, %arg1: memref<2000x1xf32, #tpu.memory_space<vmem>>, %arg2: memref<2000x16xf32, #tpu.memory_space<vmem>>, %arg3: memref<2000x1xf32, #tpu.memory_space<vmem>>, %arg4: memref<2000x2xf32, #tpu.memory_space<vmem>>, %arg5: memref<16x16xf32, #tpu.memory_space<vmem>>, %arg6: memref<1x16xf32, #tpu.memory_space<vmem>>, %arg7: memref<16x16xf32, #tpu.memory_space<vmem>>, %arg8: memref<1x16xf32, #tpu.memory_space<vmem>>, %arg9: memref<2000x16xf32, #tpu.memory_space<vmem>>, %arg10: memref<2000x16xf32, #tpu.memory_space<vmem>>, %arg11: memref<2000x16xf32, #tpu.memory_space<vmem>>, %arg12: memref<2000x16xf32, #tpu.memory_space<vmem>>) attributes {dimension_semantics = [#tpu.dimension_semantics<arbitrary>], iteration_bounds = array<i64: 25>, scalar_prefetch = 0 : i64, scratch_operands = 0 : i64, tpu.core_type = #tpu.core_type<tc>, window_params = [{transform_indices = @transform_0, window_bounds = array<i64: 2000, 1>}, {transform_indices = @transform_1, window_bounds = array<i64: 2000, 16>}, {transform_indices = @transform_2, window_bounds = array<i64: 2000, 1>}, {transform_indices = @transform_3, window_bounds = array<i64: 2000, 2>}, {pipeline_mode = #tpu.pipeline_mode<synchronous>, transform_indices = @transform_4, window_bounds = array<i64: 16, 16>}, {pipeline_mode = #tpu.pipeline_mode<synchronous>, transform_indices = @transform_5, window_bounds = array<i64: 1, 16>}, {pipeline_mode = #tpu.pipeline_mode<synchronous>, transform_indices = @transform_6, window_bounds = array<i64: 16, 16>}, {pipeline_mode = #tpu.pipeline_mode<synchronous>, transform_indices = @transform_7, window_bounds = array<i64: 1, 16>}, {transform_indices = @transform_8, window_bounds = array<i64: 2000, 16>}, {transform_indices = @transform_9, window_bounds = array<i64: 2000, 16>}, {transform_indices = @transform_10, window_bounds = array<i64: 2000, 16>}, {transform_indices = @transform_11, window_bounds = array<i64: 2000, 16>}]} {
    %get3A = arith.constant 0 : index
    %get3A_0 = arith.constant 0 : index
    %get3A_1 = vector.load %arg2[%get3A, %get3A_0] : memref<2000x16xf32, #tpu.memory_space<vmem>>, vector<2000x16xf32>
    %get3A_2 = arith.constant 0 : index
    %get3A_3 = arith.constant 0 : index
    %get3A_4 = vector.load %arg1[%get3A_2, %get3A_3] : memref<2000x1xf32, #tpu.memory_space<vmem>>, vector<2000x1xf32>
    %mul3A = vector.broadcast %get3A_4 : vector<2000x1xf32> to vector<2000x16xf32>
    %mul3A_5 = arith.mulf %get3A_1, %mul3A : vector<2000x16xf32>
    %get3A_6 = arith.constant 0 : index
    %get3A_7 = arith.constant 0 : index
    %get3A_8 = vector.load %arg3[%get3A_6, %get3A_7] : memref<2000x1xf32, #tpu.memory_space<vmem>>, vector<2000x1xf32>
    %add3A = vector.broadcast %get3A_8 : vector<2000x1xf32> to vector<2000x16xf32>
    %add3A_9 = arith.addf %mul3A_5, %add3A : vector<2000x16xf32>
    %get3A_10 = arith.constant 0 : index
    %get3A_11 = arith.constant 0 : index
    %get3A_12 = vector.load %arg5[%get3A_10, %get3A_11] : memref<16x16xf32, #tpu.memory_space<vmem>>, vector<16x16xf32>
    %dot_general3A = arith.constant dense<0.000000e+00> : vector<2000x16xf32>
    %dot_general3A_13 = tpu.matmul %add3A_9, %get3A_12, %dot_general3A {dimension_numbers = #tpu.dot_dimension_numbers<[1], [1], [0], [0], [0, 0, 1, 0], [], []>, transpose_lhs_hint = false} : vector<2000x16xf32>, vector<16x16xf32>, vector<2000x16xf32> -> vector<2000x16xf32>
    %get3A_14 = arith.constant 0 : index
    %get3A_15 = arith.constant 0 : index
    %get3A_16 = vector.load %arg6[%get3A_14, %get3A_15] : memref<1x16xf32, #tpu.memory_space<vmem>>, vector<1x16xf32>
    %add3A_17 = vector.broadcast %get3A_16 : vector<1x16xf32> to vector<2000x16xf32>
    %add3A_18 = arith.addf %dot_general3A_13, %add3A_17 : vector<2000x16xf32>
    %max3A = arith.constant 0.000000e+00 : f32
    %max3A_19 = vector.broadcast %max3A : f32 to vector<2000x16xf32>
    %max3A_20 = arith.maximumf %add3A_18, %max3A_19 : vector<2000x16xf32>
    %get3A_21 = arith.constant 0 : index
    %get3A_22 = arith.constant 0 : index
    %get3A_23 = vector.load %arg7[%get3A_21, %get3A_22] : memref<16x16xf32, #tpu.memory_space<vmem>>, vector<16x16xf32>
    %dot_general3A_24 = arith.constant dense<0.000000e+00> : vector<2000x16xf32>
    %dot_general3A_25 = tpu.matmul %max3A_20, %get3A_23, %dot_general3A_24 {dimension_numbers = #tpu.dot_dimension_numbers<[1], [1], [0], [0], [0, 0, 1, 0], [], []>, transpose_lhs_hint = false} : vector<2000x16xf32>, vector<16x16xf32>, vector<2000x16xf32> -> vector<2000x16xf32>
    %get3A_26 = arith.constant 0 : index
    %get3A_27 = arith.constant 0 : index
    %get3A_28 = vector.load %arg8[%get3A_26, %get3A_27] : memref<1x16xf32, #tpu.memory_space<vmem>>, vector<1x16xf32>
    %add3A_29 = vector.broadcast %get3A_28 : vector<1x16xf32> to vector<2000x16xf32>
    %add3A_30 = arith.addf %dot_general3A_25, %add3A_29 : vector<2000x16xf32>
    %get3A_31 = arith.constant 0 : index
    %get3A_32 = arith.constant 0 : index
    %get3A_33 = vector.load %arg4[%get3A_31, %get3A_32] : memref<2000x2xf32, #tpu.memory_space<vmem>>, vector<2000x1xf32>
    %get3A_34 = arith.constant 0 : index
    %get3A_35 = arith.constant 1 : index
    %get3A_36 = vector.load %arg4[%get3A_34, %get3A_35] : memref<2000x2xf32, #tpu.memory_space<vmem>>, vector<2000x1xf32>
    %add3A_37 = arith.addf %get3A_33, %get3A_36 : vector<2000x1xf32>
    %add3A_38 = arith.constant 1.000000e+00 : f32
    %add3A_39 = vector.broadcast %add3A_38 : f32 to vector<2000x1xf32>
    %add3A_40 = arith.addf %add3A_37, %add3A_39 : vector<2000x1xf32>
    %rsqrt3A = math.rsqrt %add3A_40 : vector<2000x1xf32>
    %mul3A_41 = arith.mulf %rsqrt3A, %add3A_40 : vector<2000x1xf32>
    %mul3A_42 = vector.broadcast %rsqrt3A : vector<2000x1xf32> to vector<2000x16xf32>
    %mul3A_43 = arith.mulf %mul3A_42, %add3A_30 : vector<2000x16xf32>
    %swap3A = arith.constant 0 : index
    %swap3A_44 = arith.constant 0 : index
    %swap3A_45 = vector.load %arg9[%swap3A, %swap3A_44] : memref<2000x16xf32, #tpu.memory_space<vmem>>, vector<2000x16xf32>
    tpu.vector_store %arg9[%swap3A, %swap3A_44], %mul3A_43 {strides = array<i32>} : memref<2000x16xf32, #tpu.memory_space<vmem>>, vector<2000x16xf32>,
    %mul3A_46 = arith.constant 0.111111112 : f32
    %mul3A_47 = vector.broadcast %mul3A_46 : f32 to vector<2000x16xf32>
    %mul3A_48 = arith.mulf %mul3A_47, %add3A_30 : vector<2000x16xf32>
    %mul3A_49 = vector.broadcast %mul3A_41 : vector<2000x1xf32> to vector<2000x16xf32>
    %mul3A_50 = arith.mulf %mul3A_48, %mul3A_49 : vector<2000x16xf32>
    %swap3A_51 = arith.constant 0 : index
    %swap3A_52 = arith.constant 0 : index
    %swap3A_53 = vector.load %arg10[%swap3A_51, %swap3A_52] : memref<2000x16xf32, #tpu.memory_space<vmem>>, vector<2000x16xf32>
    tpu.vector_store %arg10[%swap3A_51, %swap3A_52], %mul3A_50 {strides = array<i32>} : memref<2000x16xf32, #tpu.memory_space<vmem>>, vector<2000x16xf32>,
    %mul3A_54 = arith.constant 0.899999976 : f32
    %mul3A_55 = vector.broadcast %mul3A_54 : f32 to vector<2000x1xf32>
    %mul3A_56 = arith.mulf %mul3A_55, %rsqrt3A : vector<2000x1xf32>
    %mul3A_57 = arith.mulf %mul3A_56, %rsqrt3A : vector<2000x1xf32>
    %broadcast_in_dim3A = vector.shape_cast %mul3A_57 : vector<2000x1xf32> to vector<2000x1xf32>
    %broadcast_in_dim3A_58 = vector.broadcast %broadcast_in_dim3A : vector<2000x1xf32> to vector<2000x16xf32>
    %swap3A_59 = arith.constant 0 : index
    %swap3A_60 = arith.constant 0 : index
    %swap3A_61 = vector.load %arg11[%swap3A_59, %swap3A_60] : memref<2000x16xf32, #tpu.memory_space<vmem>>, vector<2000x16xf32>
    tpu.vector_store %arg11[%swap3A_59, %swap3A_60], %broadcast_in_dim3A_58 {strides = array<i32>} : memref<2000x16xf32, #tpu.memory_space<vmem>>, vector<2000x16xf32>,
    %mul3A_62 = arith.constant 9.99999974E-5 : f32
    %mul3A_63 = vector.broadcast %mul3A_62 : f32 to vector<2000x1xf32>
    %mul3A_64 = arith.mulf %mul3A_41, %mul3A_63 : vector<2000x1xf32>
    %broadcast_in_dim3A_65 = vector.shape_cast %mul3A_64 : vector<2000x1xf32> to vector<2000x1xf32>
    %broadcast_in_dim3A_66 = vector.broadcast %broadcast_in_dim3A_65 : vector<2000x1xf32> to vector<2000x16xf32>
    %swap3A_67 = arith.constant 0 : index
    %swap3A_68 = arith.constant 0 : index
    %swap3A_69 = vector.load %arg12[%swap3A_67, %swap3A_68] : memref<2000x16xf32, #tpu.memory_space<vmem>>, vector<2000x16xf32>
    tpu.vector_store %arg12[%swap3A_67, %swap3A_68], %broadcast_in_dim3A_66 {strides = array<i32>} : memref<2000x16xf32, #tpu.memory_space<vmem>>, vector<2000x16xf32>,
    return
  }
  func.func @transform_0(%arg0: i32) -> (i32, i32) {
    %c0_i32 = arith.constant 0 : i32
    %c0_i32_0 = arith.constant 0 : i32
    return %arg0, %c0_i32 : i32, i32
  }
  func.func @transform_1(%arg0: i32) -> (i32, i32) {
    %jit3A = arith.constant 5 : i32
    %eq3A = arith.constant 0 : i32
    %eq3A_0 = arith.cmpi eq, %jit3A, %eq3A : i32
    %jit3A_1 = arith.constant 1 : i32
    %select_n3A = arith.select %eq3A_0, %jit3A_1, %jit3A : i32
    %rem3A = arith.remsi %arg0, %select_n3A : i32
    %ne3A = arith.constant 0 : i32
    %ne3A_2 = arith.cmpi ne, %rem3A, %ne3A : i32
    %lt3A = arith.constant 0 : i32
    %lt3A_3 = arith.cmpi slt, %rem3A, %lt3A : i32
    %lt3A_4 = arith.constant 0 : i32
    %lt3A_5 = arith.cmpi slt, %select_n3A, %lt3A_4 : i32
    %ne3A_6 = arith.xori %lt3A_3, %lt3A_5 : i1
    %and3A = arith.andi %ne3A_6, %ne3A_2 : i1
    %add3A = arith.addi %rem3A, %select_n3A : i32
    %select_n3A_7 = arith.select %and3A, %add3A, %rem3A : i32
    %c0_i32 = arith.constant 0 : i32
    %c0_i32_8 = arith.constant 0 : i32
    return %select_n3A_7, %c0_i32 : i32, i32
  }
  func.func @transform_2(%arg0: i32) -> (i32, i32) {
    %jit3A = arith.constant 5 : i32
    %eq3A = arith.constant 0 : i32
    %eq3A_0 = arith.cmpi eq, %jit3A, %eq3A : i32
    %jit3A_1 = arith.constant 1 : i32
    %select_n3A = arith.select %eq3A_0, %jit3A_1, %jit3A : i32
    %rem3A = arith.remsi %arg0, %select_n3A : i32
    %ne3A = arith.constant 0 : i32
    %ne3A_2 = arith.cmpi ne, %rem3A, %ne3A : i32
    %lt3A = arith.constant 0 : i32
    %lt3A_3 = arith.cmpi slt, %rem3A, %lt3A : i32
    %lt3A_4 = arith.constant 0 : i32
    %lt3A_5 = arith.cmpi slt, %select_n3A, %lt3A_4 : i32
    %ne3A_6 = arith.xori %lt3A_3, %lt3A_5 : i1
    %and3A = arith.andi %ne3A_6, %ne3A_2 : i1
    %add3A = arith.addi %rem3A, %select_n3A : i32
    %select_n3A_7 = arith.select %and3A, %add3A, %rem3A : i32
    %c0_i32 = arith.constant 0 : i32
    %c0_i32_8 = arith.constant 0 : i32
    return %select_n3A_7, %c0_i32 : i32, i32
  }
  func.func @transform_3(%arg0: i32) -> (i32, i32) {
    %c0_i32 = arith.constant 0 : i32
    %c0_i32_0 = arith.constant 0 : i32
    return %arg0, %c0_i32 : i32, i32
  }
  func.func @transform_4(%arg0: i32) -> (i32, i32) {
    %c0_i32 = arith.constant 0 : i32
    %c0_i32_0 = arith.constant 0 : i32
    %c0_i32_1 = arith.constant 0 : i32
    return %c0_i32, %c0_i32_0 : i32, i32
  }
  func.func @transform_5(%arg0: i32) -> (i32, i32) {
    %c0_i32 = arith.constant 0 : i32
    %c0_i32_0 = arith.constant 0 : i32
    %c0_i32_1 = arith.constant 0 : i32
    return %c0_i32, %c0_i32_0 : i32, i32
  }
  func.func @transform_6(%arg0: i32) -> (i32, i32) {
    %c0_i32 = arith.constant 0 : i32
    %c0_i32_0 = arith.constant 0 : i32
    %c0_i32_1 = arith.constant 0 : i32
    return %c0_i32, %c0_i32_0 : i32, i32
  }
  func.func @transform_7(%arg0: i32) -> (i32, i32) {
    %c0_i32 = arith.constant 0 : i32
    %c0_i32_0 = arith.constant 0 : i32
    %c0_i32_1 = arith.constant 0 : i32
    return %c0_i32, %c0_i32_0 : i32, i32
  }
  func.func @transform_8(%arg0: i32) -> (i32, i32) {
    %c0_i32 = arith.constant 0 : i32
    %c0_i32_0 = arith.constant 0 : i32
    return %arg0, %c0_i32 : i32, i32
  }
  func.func @transform_9(%arg0: i32) -> (i32, i32) {
    %c0_i32 = arith.constant 0 : i32
    %c0_i32_0 = arith.constant 0 : i32
    return %arg0, %c0_i32 : i32, i32
  }
  func.func @transform_10(%arg0: i32) -> (i32, i32) {
    %c0_i32 = arith.constant 0 : i32
    %c0_i32_0 = arith.constant 0 : i32
    return %arg0, %c0_i32 : i32, i32
  }
  func.func @transform_11(%arg0: i32) -> (i32, i32) {
    %c0_i32 = arith.constant 0 : i32
    %c0_i32_0 = arith.constant 0 : i32
    return %arg0, %c0_i32 : i32, i32
  }
}

</mosaic_0001>

<sc_bundles>
// kernel: kernel.5.cloned.1.call-start
scs
__scs_entry_jumppad:
0x0: {  	(pc) =	sbr.rel $0x88, $3  }
0x1: {  	(tag) =	ssettag $0x0;
	lr =	simm.s32 $0x1  }
0x2: {  	[smem:$0x3F99] =	sst lr;
	_ =	strace $0xD0000000  }
0x3: {  	_ = 	snop  }
0x4: {  	_ = 	snop  }
0x5: {  	_ = 	snop  }
0x6: {  	_ = 	snop  }
0x7: {  	_ = 	snop  }
__scs_overlays_trampoline_lowered:
0x8: {  	[smem:$0x3FA8] =	sst s0  }
0x9: {  	[smem:$0x3FA9] =	sst s1  }
0xa: {  	[smem:$0x3FAA] =	sst s2  }
0xb: {  	[smem:$0x3FAB] =	sst s3  }
0xc: {  	[smem:$0x3FAC] =	sst s4  }
0xd: {  	[smem:$0x3FAD] =	sst s5  }
0xe: {  	[smem:$0x3FAE] =	sst s6  }
0xf: {  	[smem:$0x3FAF] =	sst s7  }
0x10: {  	[smem:$0x3FB0] =	sst s8  }
0x11: {  	[smem:$0x3FB1] =	sst s9;
	s0 =	simm.s32 @!p0 $0x0  }
0x12: {  	s1 =	sld [smem:$0x3F97];
	s0 =	simm.s32 @p0 $0x1  }
0x13: {  	[smem:$0x3FB2] =	sst s0;
	s0 =	simm.s32 @!p1 $0x0  }
0x14: {  	s2 =	sld [smem:$0x3F96];
	s0 =	simm.s32 @p1 $0x1  }
0x15: {  	[smem:$0x3FB3] =	sst s0;
	s0 =	simm.s32 @!p2 $0x0  }
0x16: {  	s3 =	sld [smem:$0x3FDB];
	s0 =	simm.s32 @p2 $0x1  }
0x17: {  	s4 =	simm.s32 $0x1BF5;
	[smem:$0x3FB5] =	sst s0  }
0x18: {  	s0 =	sld [smem:$0x3F98];
	_ =	swait.ge [sflag:s4], $0x0  }
0x19: {  	s7 =	sld [smem:$0x3F99]  }
0x1a: {  	s8 =	sadd.s32 $0xFFFFE003, lr  }
0x1b: {  	s9 =	sadd.s32 $0xFFFFFEF7, lr;
	s5 =	simm.s32 $0xFFFFFFFF;
	p2 =	slt.u32 s8, $0xFFFFF086  }
0x1c: {  	p1 =	slt.u32 s9, $0xF7A;
	s5 =	simm.s32 @!p2 $0x0  }
0x1d: {  	s5 =	simm.s32 @p1 $0x1;
	p0 =	seq.s32 s7, s2  }
0x1e: {  	s7 =	smul.u32 @!p0 $0xF7A, s2;
	p2 =	seq.s32 @!p0 s5, $0x0  }
0x1f: {  	s9 =	smul.u32 $0xF7A, s1;
	s8 =	simm.s32 @!p0 $0x1BF5;
	p2 =	por !p2, p0  }
0x20: {  	[sflag:s8] =	ssyncset.s32 @!p0 $0xFFFFF086;
	s6 =	sadd.s32 @!p0 s3, s7;
	s7 =	simm.s32 @!p0 $0x108  }
0x21: {  	s3 =	sadd.s32 s3, s9;
	s6 =	sadd.s32 @!p0 $0x88, s6;
	s7 =	simm.s32 @p2 $0x1082  }
0x22: {  	[simem:s7], [sflag:s8] =	dma.local @!p0 [hbm:s6], $0xF7A  }
0x23: {  	s9 =	sor.u32 $0xD0000000, s2;
	s6 =	simm.s32 $0x108;
	_ =	swait.ge @!p0 [sflag:s8], $0x0  }
0x24: {  	s3 =	sadd.s32 $0x88, s3;
	s6 =	simm.s32 @!p1 $0x1082;
	[sflag:s4] =	ssyncset.s32 $0xFFFFF086  }
0x25: {  	[simem:s6], [sflag:s4] =	dma.local [hbm:s3], $0xF7A  }
0x26: {  	[smem:$0x3F99] =	sst s1;
	(tag) =	ssettag s2;
	_ =	strace s9  }
0x27: {  	s1 =	sld [smem:$0x3FA9]  }
0x28: {  	s2 =	sld [smem:$0x3FAA]  }
0x29: {  	s4 =	sld [smem:$0x3FAC]  }
0x2a: {  	p0 =	seq.s32 s5, $0x0;
	s5 =	sld [smem:$0x3FAD]  }
0x2b: {  	s6 =	sld [smem:$0x3FAE]  }
0x2c: {  	s7 =	sld [smem:$0x3FAF]  }
0x2d: {  	s3 =	simm.s32 $0x108;
	s8 =	sld [smem:$0x3FB0]  }
0x2e: {  	s3 =	simm.s32 @!p0 $0x1082;
	s9 =	sld [smem:$0x3FB1]  }
0x2f: {  	lr =	sadd.s32 s0, s3;
	s0 =	sld [smem:$0x3FA8]  }
0x30: {  	s3 =	sld [smem:$0x3FAB]  }
0x31: {  	[smem:$0x3FB4] =	sst s10  }
0x32: {  	s10 =	sld [smem:$0x3FB2];
	_ =	sdelay $0x3  }
0x33: {  	p0 =	seq.s32 s10, $0x1;
	s10 =	sld [smem:$0x3FB4];
	_ =	sdelay $0x3  }
0x34: {  	[smem:$0x3FB4] =	sst s10  }
0x35: {  	s10 =	sld [smem:$0x3FB3];
	_ =	sdelay $0x3  }
0x36: {  	p1 =	seq.s32 s10, $0x1;
	s10 =	sld [smem:$0x3FB4];
	_ =	sdelay $0x3  }
0x37: {  	[smem:$0x3FB4] =	sst s10  }
0x38: {  	s10 =	sld [smem:$0x3FB5]  }
0x39: {  	_ = 	snop;
	(pc) =	sbr.ind lr, $3  }
0x3a: {  	_ = 	snop  }
0x3b: {  	_ = 	snop  }
0x3c: {  	p2 =	seq.s32 s10, $0x1;
	s10 =	sld [smem:$0x3FB4]  }
0x3d: {  	_ =	shalt  }
0x3e: {  	_ =	shalt  }
0x3f: {  	_ =	shalt  }
0x40: {  	_ =	shalt  }
0x41: {  	_ =	shalt  }
0x42: {  	_ =	shalt  }
0x43: {  	_ =	shalt  }
0x44: {  	_ =	shalt  }
0x45: {  	_ =	shalt  }
0x46: {  	_ =	shalt  }
0x47: {  	_ =	shalt  }
0x48: {  	_ =	shalt  }
0x49: {  	_ =	shalt  }
0x4a: {  	_ =	shalt  }
0x4b: {  	_ =	shalt  }
0x4c: {  	_ =	shalt  }
0x4d: {  	_ =	shalt  }
0x4e: {  	_ =	shalt  }
0x4f: {  	_ =	shalt  }
0x50: {  	_ =	shalt  }
0x51: {  	_ =	shalt  }
0x52: {  	_ =	shalt  }
0x53: {  	_ =	shalt  }
0x54: {  	_ =	shalt  }
0x55: {  	_ =	shalt  }
0x56: {  	_ =	shalt  }
0x57: {  	_ =	shalt  }
0x58: {  	_ =	shalt  }
0x59: {  	_ =	shalt  }
0x5a: {  	_ =	shalt  }
0x5b: {  	_ =	shalt  }
0x5c: {  	_ =	shalt  }
0x5d: {  	_ =	shalt  }
0x5e: {  	_ =	shalt  }
0x5f: {  	_ =	shalt  }
0x60: {  	_ =	shalt  }
0x61: {  	_ =	shalt  }
0x62: {  	_ =	shalt  }
0x63: {  	_ =	shalt  }
0x64: {  	_ =	shalt  }
0x65: {  	_ =	shalt  }
0x66: {  	_ =	shalt  }
0x67: {  	_ =	shalt  }
0x68: {  	_ =	shalt  }
0x69: {  	_ =	shalt  }
0x6a: {  	_ =	shalt  }
0x6b: {  	_ =	shalt  }
0x6c: {  	_ =	shalt  }
0x6d: {  	_ =	shalt  }
0x6e: {  	_ =	shalt  }
0x6f: {  	_ =	shalt  }
0x70: {  	_ =	shalt  }
0x71: {  	_ =	shalt  }
0x72: {  	_ =	shalt  }
0x73: {  	_ =	shalt  }
0x74: {  	_ =	shalt  }
0x75: {  	_ =	shalt  }
0x76: {  	_ =	shalt  }
0x77: {  	_ =	shalt  }
0x78: {  	_ =	shalt  }
0x79: {  	_ =	shalt  }
0x7a: {  	_ =	shalt  }
0x7b: {  	_ =	shalt  }
0x7c: {  	_ =	shalt  }
0x7d: {  	_ =	shalt  }
0x7e: {  	_ =	shalt  }
0x7f: {  	_ =	shalt  }
0x80: {  	_ =	shalt  }
0x81: {  	_ =	shalt  }
0x82: {  	_ =	shalt  }
0x83: {  	_ =	shalt  }
0x84: {  	_ =	shalt  }
0x85: {  	_ =	shalt  }
0x86: {  	_ =	shalt  }
0x87: {  	_ =	shalt  }
.Lfunc_end0:
.L_simem_size_0:
called_computation_lowered:
.L_overlay_start_0:
0x88: {  	s2 =	sld [smem:$0x3FD9]  }
0x89: {  	s3 =	sld [smem:$0x3FFE];
	_ =	sdelay $0x1  }
0x8a: {  	s1 =	srdreg.scid  }
0x8b: {  	s0 =	sand.u32 $0x1, s1  }
0x8c: {  	s16 =	sshll.u32 s0, $0xA;
	s2 =	sadd.s32 s3, s2  }
0x8d: {  	s2 =	sadd.s32 s2, s16  }
0x8e: {  	[smem:$0x3FC0] =	sst s2  }
0x8f: {  	_ = 	snop  }
0x90: {  	(tm) =	ssettm $0x1  }
0x91: {  	s17 =	sld [smem:$0x3FFB];
	_ =	sdelay $0x3  }
0x92: {  	_ =	strace s17  }
0x93: {  	s2 =	sld [smem:$0x3FFC];
	_ =	sdelay $0x3  }
0x94: {  	_ =	strace s2  }
0x95: {  	s2 =	sld [smem:$0x3FFD];
	_ =	sdelay $0x3  }
0x96: {  	_ =	strace s2  }
0x97: {  	_ =	strace $0x8FFFFFFF  }
0x98: {  	s18 =	sld [smem:$0x3FDB];
	_ =	sdelay $0x1  }
0x99: {  	s19 =	simm.s32 $_scs_section_size  }
0x9a: {  	s4 =	simm.s32 $_size__tile_overlayer_lowered;
	s5 =	simm.s32 $_tile_overlayer_lowered  }
0x9b: {  	s22 =	simm.s32 $0x1BFF;
	s21 =	sshll.u32 s5, $0x1;
	s2 =	sadd.s32 s19, s18  }
0x9c: {  	s6 =	simm.s32 $0x0;
	s20 =	sshll.u32 s4, $0x1;
	s4 =	sadd.s32 s21, s2  }
0x9d: {  	[timem:s6], [sflag:s22] =	dma.local [hbm:s4], s20  }
0x9e: {  	_ =	swait.ge [sflag:s22], s20  }
0x9f: {  	s3 =	ssub.s32 $0x0, s20;
	[sflag:s22] =	ssyncset.done $0x0  }
0xa0: {  	[sflag:s22] =	ssyncadd.s32 s3;
	_ =	sdelay $0x1  }
0xa1: {  	s23 =	simm.s32 $0x1B8B  }
0xa2: {  	_ =	swait.ge [sflag:s23], $0x1  }
0xa3: {  	[sflag:s23] =	ssyncset.done $0x0  }
0xa4: {  	s25 =	simm.s32 $0x1B8E;
	s24 =	sld [smem:$0x3FFE];
	[sflag:s23] =	ssyncadd.s32 $0xFFFFFFFF  }
0xa5: {  	s26 =	simm.s32 $execute0_lowered;
	[smem:$0x3FD2] =	sst s25  }
0xa6: {  	s4 =	sshll.u32 s26, $0x1;
	_ =	strace $0x80000046;
	[dreg:$0x1] =	wrdreg $0xFFFFFFFF  }
0xa7: {  	s28 =	simm.s32 $_size_execute0_lowered;
	s2 =	sadd.s32 s2, s4;
	[dreg:$0x0] =	wrdreg $0x0  }
0xa8: {  	s4 =	sshll.u32 s28, $0x1;
	[dreg:$0x2] =	wrdreg s2  }
0xa9: {  	[dreg:$0x3] =	wrdreg s4  }
0xaa: {  	[dreg:$0x4] =	wrdreg $0xC0  }
0xab: {  	_ =	task [dreg:s6], $0x5FFFF  }
0xac: {  	[dreg:$0x1] =	wrdreg $0xFFFFFFFF  }
0xad: {  	[dreg:$0x0] =	wrdreg $0x60  }
0xae: {  	[dreg:$0x2] =	wrdreg s24  }
0xaf: {  	[dreg:$0x3] =	wrdreg $0x0  }
0xb0: {  	[dreg:$0x4] =	wrdreg $0x9  }
0xb1: {  	_ =	task.clear_ibuf [dreg:s6], $0x5FFFF;
	_ =	strace $0x90000046  }
0xb2: {  	s29 =	simm.s32 $0x9;
	_ =	strace $0x80000048  }
0xb3: {  	_ =	swait.ge [sflag:s29], $0x1  }
0xb4: {  	[sflag:s29] =	ssyncadd.s32 $0xFFFFFFFF  }
0xb5: {  	_ =	strace $0x90000048  }
0xb6: {  	_ =	sfence  }
0xb7: {  	s30 =	sld [smem:$0x0];
	_ =	sdelay $0x2  }
0xb8: {  	s31 =	sshll.u32 s1, $0xD;
	s1 =	sshrl.u32 s1, $0x2  }
0xb9: {  	s3 =	sand.u32 $0x4000, s31;
	s1 =	sadd.s32 s1, s30  }
0xba: {  	s0 =	sor.u32 s3, s0;
	s1 =	sshll.u32 s1, $0x11  }
0xbb: {  	s0 =	sor.u32 s1, s0  }
0xbc: {  	s0 =	sadd.s32 $0x8F2B, s0  }
0xbd: {  	[sflag:s0] =	ssyncadd.remote.s32 $0x1  }
0xbe: {  	_ =	sfence.sel $0xFFFF  }
0xbf: {  	[dreg:$0x0] =	wrdreg $0xFFFFFFFF;
	(pc) =	sbr.abs _section_cstart, $3  }
0xc0: {  	[dreg:$0x1] =	wrdreg $0xFFFFFFFF  }
0xc1: {  	_ =	task.clear_ibuf [dreg:s6], $0x2FFFF;
	_ =	strace $0x9FFFFFFF  }
0xc2: {  	(tm) =	ssettm $0x7FFFFFFF  }
0xc3: {  	_ =	shalt  }
tec
execute0_lowered:
.L_overlay_start_1:
0x0: {  	(tag) =	ssettag $0x1  }
0x1: {  	s0 =	rddreg [dreg:$0x0]  }
0x2: {  	s2 =	rddreg [dreg:$0x1]  }
0x3: {  	s1 =	srdreg.scid;
	s9 =	stileid.u32;
	s3 =	simm.s32 $0x0  }
0x4: {  	s28 =	simm.s32 $0xCC00;
	s29 =	simm.s32 $0xC480;
	s30 =	simm.s32 $0xC500  }
0x5: {  	s31 =	simm.s32 $0xC580;
	s10 =	simm.s32 $0xC980;
	s11 =	simm.s32 $0xCA00  }
0x6: {  	s12 =	simm.s32 $0xCA80;
	s1 =	sand.u32 $0x1, s1;
	s5 =	smul.u32 $0xC400, s9  }
0x7: {  	[smem:$0x7FF] =	sst s3;
	s4 =	smul.u32 $0xC4000, s1;
	s6 =	sshll.u32 s1, $0x4  }
0x8: {  	s8 =	sadd.s32 $0xA00, s0;
	s1 =	ssub.s32 $0x2, s1;
	s6 =	sor.u32 s9, s6  }
0x9: {  	s7 =	sshrl.u32 s1, $0x1;
	s9 =	smul.u32 $0x31000, s9;
	s4 =	sadd.s32 s5, s4  }
0xa: {  	_ =	strace $0x80000047;
	s1 =	ssub.s32 s1, s7;
	s4 =	sshrl.u32 s4, $0x3  }
0xb: {  	s15 =	sshrl.u32 s9, $0x2;
	s1 =	smax.u32 s1, $0x1;
	s0 =	sadd.s32 s4, s0  }
0xc: {  	[dreg:$0x5] =	wrdreg s1;
	s7 =	sadd.s32 s15, s2;
	s0 =	sadd.s32 $0x31A00, s0  }
0xd: {  	s13 =	simm.s32 $0xCB00;
	s16 =	sadd.s32 $0x1C00, s7;
	[dreg:$0x4] =	wrdreg s0  }
0xe: {  	s14 =	simm.s32 $0xCB80;
	s17 =	sadd.s32 $0x2A00, s7;
	[dreg:$0x7] =	wrdreg s16  }
0xf: {  	s6 =	smul.u32 $0xC400, s6;
	s18 =	sadd.s32 $0x3800, s7;
	[dreg:$0x8] =	wrdreg s17  }
0x10: {  	s5 =	sadd.s32 s5, s2;
	s19 =	sadd.s32 $0x4600, s7;
	[dreg:$0x9] =	wrdreg s18  }
0x11: {  	s9 =	simm.s32 $0xC900;
	s20 =	sadd.s32 $0x5400, s7;
	[dreg:$0xa] =	wrdreg s19  }
0x12: {  	s6 =	sshrl.u32 s6, $0x3;
	s21 =	sadd.s32 $0x6200, s7;
	[dreg:$0xb] =	wrdreg s20  }
0x13: {  	s1 =	simm.s32 $0xC680;
	s22 =	sadd.s32 $0x7000, s7;
	[dreg:$0xc] =	wrdreg s21  }
0x14: {  	s15 =	simm.s32 $0x0;
	s23 =	sadd.s32 $0x7E00, s7;
	[dreg:$0xd] =	wrdreg s22  }
0x15: {  	s6 =	sadd.s32 s8, s6;
	s24 =	sadd.s32 $0x8C00, s7;
	[dreg:$0xe] =	wrdreg s23  }
0x16: {  	s25 =	sadd.s32 $0x9A00, s7;
	s26 =	sadd.s32 $0xA800, s7;
	[dreg:$0xf] =	wrdreg s24  }
0x17: {  	s6 =	sadd.s32 $0x1800, s6;
	s0 =	sadd.s32 $0xE00, s7;
	[dreg:$0x10] =	wrdreg s25  }
0x18: {  	[dreg:$0x11] =	wrdreg s26;
	s20 =	sadd.s32 $0xB600, s7;
	s21 =	sadd.s32 s4, s8  }
0x19: {  	s22 =	simm.s32 $0xD400;
	s23 =	simm.s32 $0x1;
	s24 =	simm.s32 $0xC400  }
0x1a: {  	s25 =	sshrl.u32 s5, $0x3;
	s26 =	simm.s32 $0x80;
	s4 =	simm.s32 $0xC700  }
0x1b: {  	s5 =	simm.s32 $0xC780;
	s8 =	simm.s32 $0xC880;
	[dreg:$0x3] =	wrdreg s6  }
0x1c: {  	v0 =	vimm.f32 $0.0e+00;
	v1 =	vimm.f32 $1.000000000e+00;
	[dreg:$0x6] =	wrdreg s0;
	s0 =	simm.s32 $0xC600;
	s6 =	simm.s32 $0xC800  }
.LBB2_1:
0x1d: {  	s16 =	simm.s32 $0x0  }
.LBB2_2:
0x1e: {  	p0 =	sne.s32 s16, $0x37C0  }
.Ltmp0:
0x1f: {  	_ = 	snop;
	(pc) =	sbr.rel @p0 .LBB2_2-.Ltmp0, $3  }
0x20: {  	_ =	sdelay $0x1  }
0x21: {  	s17 =	sshra.s32 s16, $0x2  }
0x22: {  	s16 =	sadd.s32 $0x40, s16;
	[tilespmem:s17+$0xD400] =	vst v0  }
0x23: {  	s16 =	simm.s32 $0x40;
	s17 =	simm.s32 $0x0  }
.LBB2_4:
0x24: {  	p0 =	sne.s32 s16, $0x1FC0;
	[tilespmem:s17+$0xCC00] =	vst v1;
	s17 =	smov.u32 s16;
	s16 =	sadd.s32 $0x40, s16  }
.Ltmp1:
0x25: {  	(pc) =	sbr.rel @p0 .LBB2_4-.Ltmp1, $2  }
0x26: {  	_ =	sdelay $0x2  }
0x27: {  	s17 =	sshra.s32 s17, $0x2  }
0x28: {  	[tilespmem:s17+$0xCC00] =	vst v1  }
0x29: {  	[spmem:s7] =	stream.linear.scatter [tilespmem:s22], [sflag:$0x1], $0xE00, $0x38;
	[tilespmem:$0xE200] =	vst v63  }
0x2a: {  	_ =	swait.ge [sflag:s23], $0xE00  }
0x2b: {  	[sflag:s23] =	ssyncset.done $0x0  }
0x2c: {  	s16 =	rddreg [dreg:$0x6];
	[sflag:s23] =	ssyncadd.s32 $0xFFFFF200  }
0x2d: {  	[spmem:s16] =	stream.linear.scatter [tilespmem:s22], [sflag:$0x1], $0xE00, $0x38;
	[tilespmem:$0xE200] =	vst v63  }
0x2e: {  	_ =	swait.ge [sflag:s23], $0xE00  }
0x2f: {  	[sflag:s23] =	ssyncset.done $0x0  }
0x30: {  	s17 =	rddreg [dreg:$0x7];
	[sflag:s23] =	ssyncadd.s32 $0xFFFFF200  }
0x31: {  	[spmem:s17] =	stream.linear.scatter [tilespmem:s22], [sflag:$0x1], $0xE00, $0x38;
	[tilespmem:$0xE200] =	vst v63  }
0x32: {  	_ =	swait.ge [sflag:s23], $0xE00  }
0x33: {  	[sflag:s23] =	ssyncset.done $0x0  }
0x34: {  	s18 =	rddreg [dreg:$0x8];
	[sflag:s23] =	ssyncadd.s32 $0xFFFFF200  }
0x35: {  	[spmem:s18] =	stream.linear.scatter [tilespmem:s22], [sflag:$0x1], $0xE00, $0x38;
	[tilespmem:$0xE200] =	vst v63  }
0x36: {  	_ =	swait.ge [sflag:s23], $0xE00  }
0x37: {  	[sflag:s23] =	ssyncset.done $0x0  }
0x38: {  	s19 =	rddreg [dreg:$0x9];
	[sflag:s23] =	ssyncadd.s32 $0xFFFFF200  }
0x39: {  	[spmem:s19] =	stream.linear.scatter [tilespmem:s22], [sflag:$0x1], $0xE00, $0x38;
	[tilespmem:$0xE200] =	vst v63  }
0x3a: {  	_ =	swait.ge [sflag:s23], $0xE00  }
0x3b: {  	[sflag:s23] =	ssyncset.done $0x0  }
0x3c: {  	s17 =	rddreg [dreg:$0xa];
	[sflag:s23] =	ssyncadd.s32 $0xFFFFF200  }
0x3d: {  	[spmem:s17] =	stream.linear.scatter [tilespmem:s22], [sflag:$0x1], $0xE00, $0x38;
	[tilespmem:$0xE200] =	vst v63  }
0x3e: {  	_ =	swait.ge [sflag:s23], $0xE00  }
0x3f: {  	[sflag:s23] =	ssyncset.done $0x0  }
0x40: {  	s18 =	rddreg [dreg:$0xb];
	[sflag:s23] =	ssyncadd.s32 $0xFFFFF200  }
0x41: {  	[spmem:s18] =	stream.linear.scatter [tilespmem:s22], [sflag:$0x1], $0xE00, $0x38;
	[tilespmem:$0xE200] =	vst v63  }
0x42: {  	_ =	swait.ge [sflag:s23], $0xE00  }
0x43: {  	[sflag:s23] =	ssyncset.done $0x0  }
0x44: {  	s19 =	rddreg [dreg:$0xc];
	[sflag:s23] =	ssyncadd.s32 $0xFFFFF200  }
0x45: {  	[spmem:s19] =	stream.linear.scatter [tilespmem:s22], [sflag:$0x1], $0xE00, $0x38;
	[tilespmem:$0xE200] =	vst v63  }
0x46: {  	_ =	swait.ge [sflag:s23], $0xE00  }
0x47: {  	[sflag:s23] =	ssyncset.done $0x0  }
0x48: {  	s17 =	rddreg [dreg:$0xd];
	[sflag:s23] =	ssyncadd.s32 $0xFFFFF200  }
0x49: {  	[spmem:s17] =	stream.linear.scatter [tilespmem:s22], [sflag:$0x1], $0xE00, $0x38;
	[tilespmem:$0xE200] =	vst v63  }
0x4a: {  	_ =	swait.ge [sflag:s23], $0xE00  }
0x4b: {  	[sflag:s23] =	ssyncset.done $0x0  }
0x4c: {  	s18 =	rddreg [dreg:$0xe];
	[sflag:s23] =	ssyncadd.s32 $0xFFFFF200  }
0x4d: {  	[spmem:s18] =	stream.linear.scatter [tilespmem:s22], [sflag:$0x1], $0xE00, $0x38;
	[tilespmem:$0xE200] =	vst v63  }
0x4e: {  	_ =	swait.ge [sflag:s23], $0xE00  }
0x4f: {  	[sflag:s23] =	ssyncset.done $0x0  }
0x50: {  	s19 =	rddreg [dreg:$0xf];
	[sflag:s23] =	ssyncadd.s32 $0xFFFFF200  }
0x51: {  	[spmem:s19] =	stream.linear.scatter [tilespmem:s22], [sflag:$0x1], $0xE00, $0x38;
	[tilespmem:$0xE200] =	vst v63  }
0x52: {  	_ =	swait.ge [sflag:s23], $0xE00  }
0x53: {  	[sflag:s23] =	ssyncset.done $0x0  }
0x54: {  	s17 =	rddreg [dreg:$0x10];
	[sflag:s23] =	ssyncadd.s32 $0xFFFFF200  }
0x55: {  	[spmem:s17] =	stream.linear.scatter [tilespmem:s22], [sflag:$0x1], $0xE00, $0x38;
	[tilespmem:$0xE200] =	vst v63  }
0x56: {  	_ =	swait.ge [sflag:s23], $0xE00  }
0x57: {  	[sflag:s23] =	ssyncset.done $0x0  }
0x58: {  	s18 =	rddreg [dreg:$0x11];
	[sflag:s23] =	ssyncadd.s32 $0xFFFFF200  }
0x59: {  	[spmem:s18] =	stream.linear.scatter [tilespmem:s22], [sflag:$0x1], $0xE00, $0x38;
	[tilespmem:$0xE200] =	vst v63  }
0x5a: {  	_ =	swait.ge [sflag:s23], $0xE00  }
0x5b: {  	[sflag:s23] =	ssyncset.done $0x0  }
0x5c: {  	[sflag:s23] =	ssyncadd.s32 $0xFFFFF200  }
0x5d: {  	[spmem:s20] =	stream.linear.scatter [tilespmem:s22], [sflag:$0x1], $0xE00, $0x38;
	[tilespmem:$0xE200] =	vst v63  }
0x5e: {  	_ =	swait.ge [sflag:s23], $0xE00  }
0x5f: {  	[sflag:s23] =	ssyncset.done $0x0  }
0x60: {  	[sflag:s23] =	ssyncadd.s32 $0xFFFFF200  }
0x61: {  	s19 =	sadd.s32 $0x0, s21;
	[bflag:$0x0] =	sbarrier.arrive $0xFFFF  }
0x62: {  	[tilespmem:s24], [sflag:$0x1] =	stream.linear.gather [hbm4b:s19+s3], $0x800, $0x38;
	[tilespmem:$0xE200] =	vst v63  }
0x63: {  	_ =	swait.ge [sflag:s23], $0x800  }
0x64: {  	[sflag:s23] =	ssyncset.done $0x0  }
0x65: {  	[sflag:s23] =	ssyncadd.s32 $0xFFFFF800  }
0x66: {  	[spmem:s2] =	stream.indirect.scatter.add.f32 [tilespmem:s28], [sflag:$0x1], $0x10, s24, s26, $0xb8;
	[tilespmem:$0xE200] =	vst v63  }
0x67: {  	_ =	swait.ge [sflag:s23], $0x800  }
0x68: {  	[sflag:s23] =	ssyncset.done $0x0  }
0x69: {  	[sflag:s23] =	ssyncadd.s32 $0xFFFFF800  }
0x6a: {  	[spmem:s2] =	stream.indirect.scatter.add.f32 [tilespmem:s28], [sflag:$0x1], $0x10, s29, s26, $0xb8;
	[tilespmem:$0xE200] =	vst v63  }
0x6b: {  	_ =	swait.ge [sflag:s23], $0x800  }
0x6c: {  	[sflag:s23] =	ssyncset.done $0x0  }
0x6d: {  	[sflag:s23] =	ssyncadd.s32 $0xFFFFF800  }
0x6e: {  	[spmem:s2] =	stream.indirect.scatter.add.f32 [tilespmem:s28], [sflag:$0x1], $0x10, s30, s26, $0xb8;
	[tilespmem:$0xE200] =	vst v63  }
0x6f: {  	_ =	swait.ge [sflag:s23], $0x800  }
0x70: {  	[sflag:s23] =	ssyncset.done $0x0  }
0x71: {  	[sflag:s23] =	ssyncadd.s32 $0xFFFFF800  }
0x72: {  	[spmem:s2] =	stream.indirect.scatter.add.f32 [tilespmem:s28], [sflag:$0x1], $0x10, s31, s26, $0xb8;
	[tilespmem:$0xE200] =	vst v63  }
0x73: {  	_ =	swait.ge [sflag:s23], $0x800  }
0x74: {  	[sflag:s23] =	ssyncset.done $0x0  }
0x75: {  	[sflag:s23] =	ssyncadd.s32 $0xFFFFF800  }
0x76: {  	[spmem:s2] =	stream.indirect.scatter.add.f32 [tilespmem:s28], [sflag:$0x1], $0x10, s0, s26, $0xb8;
	[tilespmem:$0xE200] =	vst v63  }
0x77: {  	_ =	swait.ge [sflag:s23], $0x800  }
0x78: {  	[sflag:s23] =	ssyncset.done $0x0  }
0x79: {  	[sflag:s23] =	ssyncadd.s32 $0xFFFFF800  }
0x7a: {  	[spmem:s2] =	stream.indirect.scatter.add.f32 [tilespmem:s28], [sflag:$0x1], $0x10, s1, s26, $0xb8;
	[tilespmem:$0xE200] =	vst v63  }
0x7b: {  	_ =	swait.ge [sflag:s23], $0x800  }
0x7c: {  	[sflag:s23] =	ssyncset.done $0x0  }
0x7d: {  	[sflag:s23] =	ssyncadd.s32 $0xFFFFF800  }
0x7e: {  	[spmem:s2] =	stream.indirect.scatter.add.f32 [tilespmem:s28], [sflag:$0x1], $0x10, s4, s26, $0xb8;
	[tilespmem:$0xE200] =	vst v63  }
0x7f: {  	_ =	swait.ge [sflag:s23], $0x800  }
0x80: {  	[sflag:s23] =	ssyncset.done $0x0  }
0x81: {  	[sflag:s23] =	ssyncadd.s32 $0xFFFFF800  }
0x82: {  	[spmem:s2] =	stream.indirect.scatter.add.f32 [tilespmem:s28], [sflag:$0x1], $0x10, s5, s26, $0xb8;
	[tilespmem:$0xE200] =	vst v63  }
0x83: {  	_ =	swait.ge [sflag:s23], $0x800  }
0x84: {  	[sflag:s23] =	ssyncset.done $0x0  }
0x85: {  	[sflag:s23] =	ssyncadd.s32 $0xFFFFF800  }
0x86: {  	[spmem:s2] =	stream.indirect.scatter.add.f32 [tilespmem:s28], [sflag:$0x1], $0x10, s6, s26, $0xb8;
	[tilespmem:$0xE200] =	vst v63  }
0x87: {  	_ =	swait.ge [sflag:s23], $0x800  }
0x88: {  	[sflag:s23] =	ssyncset.done $0x0  }
0x89: {  	[sflag:s23] =	ssyncadd.s32 $0xFFFFF800  }
0x8a: {  	[spmem:s2] =	stream.indirect.scatter.add.f32 [tilespmem:s28], [sflag:$0x1], $0x10, s8, s26, $0xb8;
	[tilespmem:$0xE200] =	vst v63  }
0x8b: {  	_ =	swait.ge [sflag:s23], $0x800  }
0x8c: {  	[sflag:s23] =	ssyncset.done $0x0  }
0x8d: {  	[sflag:s23] =	ssyncadd.s32 $0xFFFFF800  }
0x8e: {  	[spmem:s2] =	stream.indirect.scatter.add.f32 [tilespmem:s28], [sflag:$0x1], $0x10, s9, s26, $0xb8;
	[tilespmem:$0xE200] =	vst v63  }
0x8f: {  	_ =	swait.ge [sflag:s23], $0x800  }
0x90: {  	[sflag:s23] =	ssyncset.done $0x0  }
0x91: {  	[sflag:s23] =	ssyncadd.s32 $0xFFFFF800  }
0x92: {  	[spmem:s2] =	stream.indirect.scatter.add.f32 [tilespmem:s28], [sflag:$0x1], $0x10, s10, s26, $0xb8;
	[tilespmem:$0xE200] =	vst v63  }
0x93: {  	_ =	swait.ge [sflag:s23], $0x800  }
0x94: {  	[sflag:s23] =	ssyncset.done $0x0  }
0x95: {  	[sflag:s23] =	ssyncadd.s32 $0xFFFFF800  }
0x96: {  	[spmem:s2] =	stream.indirect.scatter.add.f32 [tilespmem:s28], [sflag:$0x1], $0x10, s11, s26, $0xb8;
	[tilespmem:$0xE200] =	vst v63  }
0x97: {  	_ =	swait.ge [sflag:s23], $0x800  }
0x98: {  	[sflag:s23] =	ssyncset.done $0x0  }
0x99: {  	[sflag:s23] =	ssyncadd.s32 $0xFFFFF800  }
0x9a: {  	[spmem:s2] =	stream.indirect.scatter.add.f32 [tilespmem:s28], [sflag:$0x1], $0x10, s12, s26, $0xb8;
	[tilespmem:$0xE200] =	vst v63  }
0x9b: {  	_ =	swait.ge [sflag:s23], $0x800  }
0x9c: {  	[sflag:s23] =	ssyncset.done $0x0  }
0x9d: {  	[sflag:s23] =	ssyncadd.s32 $0xFFFFF800  }
0x9e: {  	[spmem:s2] =	stream.indirect.scatter.add.f32 [tilespmem:s28], [sflag:$0x1], $0x10, s13, s26, $0xb8;
	[tilespmem:$0xE200] =	vst v63  }
0x9f: {  	_ =	swait.ge [sflag:s23], $0x800  }
0xa0: {  	[sflag:s23] =	ssyncset.done $0x0  }
0xa1: {  	[sflag:s23] =	ssyncadd.s32 $0xFFFFF800  }
0xa2: {  	[spmem:s2] =	stream.indirect.scatter.add.f32 [tilespmem:s28], [sflag:$0x1], $0x10, s14, s26, $0xb8;
	[tilespmem:$0xE200] =	vst v63  }
0xa3: {  	_ =	swait.ge [sflag:s23], $0x800  }
0xa4: {  	s16 =	simm.s32 $0x100;
	s17 =	simm.s32 $0x200;
	[sflag:s23] =	ssyncset.done $0x0  }
.LBB2_6:
0xa5: {  	s19 =	sadd.s32 s16, s21  }
0xa6: {  	[sflag:s23] =	ssyncadd.s32 $0xFFFFF800;
	s16 =	smov.u32 s17;
	s18 =	sadd.s32 $0x100, s17  }
0xa7: {  	[tilespmem:s24], [sflag:$0x1] =	stream.linear.gather [hbm4b:s19+s3], $0x800, $0x38;
	[tilespmem:$0xE200] =	vst v63  }
0xa8: {  	p0 =	sne.s32 s17, $0x1700;
	_ =	swait.ge [sflag:s23], $0x800  }
0xa9: {  	[sflag:s23] =	ssyncset.done $0x0  }
0xaa: {  	[sflag:s23] =	ssyncadd.s32 $0xFFFFF800  }
0xab: {  	[spmem:s2] =	stream.indirect.scatter.add.f32 [tilespmem:s28], [sflag:$0x1], $0x10, s24, s26, $0xb8;
	[tilespmem:$0xE200] =	vst v63  }
0xac: {  	_ =	swait.ge [sflag:s23], $0x800  }
0xad: {  	[sflag:s23] =	ssyncset.done $0x0  }
0xae: {  	[sflag:s23] =	ssyncadd.s32 $0xFFFFF800  }
0xaf: {  	[spmem:s2] =	stream.indirect.scatter.add.f32 [tilespmem:s28], [sflag:$0x1], $0x10, s29, s26, $0xb8;
	[tilespmem:$0xE200] =	vst v63  }
0xb0: {  	_ =	swait.ge [sflag:s23], $0x800  }
0xb1: {  	[sflag:s23] =	ssyncset.done $0x0  }
0xb2: {  	[sflag:s23] =	ssyncadd.s32 $0xFFFFF800  }
0xb3: {  	[spmem:s2] =	stream.indirect.scatter.add.f32 [tilespmem:s28], [sflag:$0x1], $0x10, s30, s26, $0xb8;
	[tilespmem:$0xE200] =	vst v63  }
0xb4: {  	_ =	swait.ge [sflag:s23], $0x800  }
0xb5: {  	[sflag:s23] =	ssyncset.done $0x0  }
0xb6: {  	[sflag:s23] =	ssyncadd.s32 $0xFFFFF800  }
0xb7: {  	[spmem:s2] =	stream.indirect.scatter.add.f32 [tilespmem:s28], [sflag:$0x1], $0x10, s31, s26, $0xb8;
	[tilespmem:$0xE200] =	vst v63  }
0xb8: {  	_ =	swait.ge [sflag:s23], $0x800  }
0xb9: {  	[sflag:s23] =	ssyncset.done $0x0  }
0xba: {  	[sflag:s23] =	ssyncadd.s32 $0xFFFFF800  }
0xbb: {  	[spmem:s2] =	stream.indirect.scatter.add.f32 [tilespmem:s28], [sflag:$0x1], $0x10, s0, s26, $0xb8;
	[tilespmem:$0xE200] =	vst v63  }
0xbc: {  	_ =	swait.ge [sflag:s23], $0x800  }
0xbd: {  	[sflag:s23] =	ssyncset.done $0x0  }
0xbe: {  	[sflag:s23] =	ssyncadd.s32 $0xFFFFF800  }
0xbf: {  	[spmem:s2] =	stream.indirect.scatter.add.f32 [tilespmem:s28], [sflag:$0x1], $0x10, s1, s26, $0xb8;
	[tilespmem:$0xE200] =	vst v63  }
0xc0: {  	_ =	swait.ge [sflag:s23], $0x800  }
0xc1: {  	[sflag:s23] =	ssyncset.done $0x0  }
0xc2: {  	[sflag:s23] =	ssyncadd.s32 $0xFFFFF800  }
0xc3: {  	[spmem:s2] =	stream.indirect.scatter.add.f32 [tilespmem:s28], [sflag:$0x1], $0x10, s4, s26, $0xb8;
	[tilespmem:$0xE200] =	vst v63  }
0xc4: {  	_ =	swait.ge [sflag:s23], $0x800  }
0xc5: {  	[sflag:s23] =	ssyncset.done $0x0  }
0xc6: {  	[sflag:s23] =	ssyncadd.s32 $0xFFFFF800  }
0xc7: {  	[spmem:s2] =	stream.indirect.scatter.add.f32 [tilespmem:s28], [sflag:$0x1], $0x10, s5, s26, $0xb8;
	[tilespmem:$0xE200] =	vst v63  }
0xc8: {  	_ =	swait.ge [sflag:s23], $0x800  }
0xc9: {  	[sflag:s23] =	ssyncset.done $0x0  }
0xca: {  	[sflag:s23] =	ssyncadd.s32 $0xFFFFF800  }
0xcb: {  	[spmem:s2] =	stream.indirect.scatter.add.f32 [tilespmem:s28], [sflag:$0x1], $0x10, s6, s26, $0xb8;
	[tilespmem:$0xE200] =	vst v63  }
0xcc: {  	_ =	swait.ge [sflag:s23], $0x800  }
0xcd: {  	[sflag:s23] =	ssyncset.done $0x0  }
0xce: {  	[sflag:s23] =	ssyncadd.s32 $0xFFFFF800  }
0xcf: {  	[spmem:s2] =	stream.indirect.scatter.add.f32 [tilespmem:s28], [sflag:$0x1], $0x10, s8, s26, $0xb8;
	[tilespmem:$0xE200] =	vst v63  }
0xd0: {  	_ =	swait.ge [sflag:s23], $0x800  }
0xd1: {  	[sflag:s23] =	ssyncset.done $0x0  }
0xd2: {  	[sflag:s23] =	ssyncadd.s32 $0xFFFFF800  }
0xd3: {  	[spmem:s2] =	stream.indirect.scatter.add.f32 [tilespmem:s28], [sflag:$0x1], $0x10, s9, s26, $0xb8;
	[tilespmem:$0xE200] =	vst v63  }
0xd4: {  	_ =	swait.ge [sflag:s23], $0x800  }
0xd5: {  	[sflag:s23] =	ssyncset.done $0x0  }
0xd6: {  	[sflag:s23] =	ssyncadd.s32 $0xFFFFF800  }
0xd7: {  	[spmem:s2] =	stream.indirect.scatter.add.f32 [tilespmem:s28], [sflag:$0x1], $0x10, s10, s26, $0xb8;
	[tilespmem:$0xE200] =	vst v63  }
0xd8: {  	_ =	swait.ge [sflag:s23], $0x800  }
0xd9: {  	[sflag:s23] =	ssyncset.done $0x0  }
0xda: {  	[sflag:s23] =	ssyncadd.s32 $0xFFFFF800  }
0xdb: {  	[spmem:s2] =	stream.indirect.scatter.add.f32 [tilespmem:s28], [sflag:$0x1], $0x10, s11, s26, $0xb8;
	[tilespmem:$0xE200] =	vst v63  }
0xdc: {  	_ =	swait.ge [sflag:s23], $0x800  }
0xdd: {  	[sflag:s23] =	ssyncset.done $0x0  }
0xde: {  	[sflag:s23] =	ssyncadd.s32 $0xFFFFF800  }
0xdf: {  	[spmem:s2] =	stream.indirect.scatter.add.f32 [tilespmem:s28], [sflag:$0x1], $0x10, s12, s26, $0xb8;
	[tilespmem:$0xE200] =	vst v63  }
0xe0: {  	_ =	swait.ge [sflag:s23], $0x800  }
0xe1: {  	[sflag:s23] =	ssyncset.done $0x0  }
0xe2: {  	[sflag:s23] =	ssyncadd.s32 $0xFFFFF800  }
0xe3: {  	[spmem:s2] =	stream.indirect.scatter.add.f32 [tilespmem:s28], [sflag:$0x1], $0x10, s13, s26, $0xb8;
	[tilespmem:$0xE200] =	vst v63  }
0xe4: {  	_ =	swait.ge [sflag:s23], $0x800  }
.Ltmp2:
0xe5: {  	[sflag:s23] =	ssyncset.done $0x0;
	(pc) =	sbr.rel @p0 .LBB2_6-.Ltmp2, $4  }
0xe6: {  	[sflag:s23] =	ssyncadd.s32 $0xFFFFF800  }
0xe7: {  	[spmem:s2] =	stream.indirect.scatter.add.f32 [tilespmem:s28], [sflag:$0x1], $0x10, s14, s26, $0xb8;
	[tilespmem:$0xE200] =	vst v63  }
0xe8: {  	_ =	swait.ge [sflag:s23], $0x800  }
0xe9: {  	s17 =	smov.u32 s18;
	[sflag:s23] =	ssyncset.done $0x0  }
0xea: {  	s16 =	sadd.s32 s16, s21;
	[sflag:s23] =	ssyncadd.s32 $0xFFFFF800  }
0xeb: {  	[tilespmem:s24], [sflag:$0x1] =	stream.linear.gather [hbm4b:s16+s3], $0x800, $0x38;
	[tilespmem:$0xE200] =	vst v63  }
0xec: {  	_ =	swait.ge [sflag:s23], $0x800  }
0xed: {  	[sflag:s23] =	ssyncset.done $0x0  }
0xee: {  	[sflag:s23] =	ssyncadd.s32 $0xFFFFF800  }
0xef: {  	[spmem:s2] =	stream.indirect.scatter.add.f32 [tilespmem:s28], [sflag:$0x1], $0x10, s24, s26, $0xb8;
	[tilespmem:$0xE200] =	vst v63  }
0xf0: {  	_ =	swait.ge [sflag:s23], $0x800  }
0xf1: {  	[sflag:s23] =	ssyncset.done $0x0  }
0xf2: {  	[sflag:s23] =	ssyncadd.s32 $0xFFFFF800  }
0xf3: {  	[spmem:s2] =	stream.indirect.scatter.add.f32 [tilespmem:s28], [sflag:$0x1], $0x10, s29, s26, $0xb8;
	[tilespmem:$0xE200] =	vst v63  }
0xf4: {  	_ =	swait.ge [sflag:s23], $0x800  }
0xf5: {  	[sflag:s23] =	ssyncset.done $0x0  }
0xf6: {  	[sflag:s23] =	ssyncadd.s32 $0xFFFFF800  }
0xf7: {  	[spmem:s2] =	stream.indirect.scatter.add.f32 [tilespmem:s28], [sflag:$0x1], $0x10, s30, s26, $0xb8;
	[tilespmem:$0xE200] =	vst v63  }
0xf8: {  	_ =	swait.ge [sflag:s23], $0x800  }
0xf9: {  	[sflag:s23] =	ssyncset.done $0x0  }
0xfa: {  	[sflag:s23] =	ssyncadd.s32 $0xFFFFF800  }
0xfb: {  	[spmem:s2] =	stream.indirect.scatter.add.f32 [tilespmem:s28], [sflag:$0x1], $0x10, s31, s26, $0xb8;
	[tilespmem:$0xE200] =	vst v63  }
0xfc: {  	_ =	swait.ge [sflag:s23], $0x800  }
0xfd: {  	[sflag:s23] =	ssyncset.done $0x0  }
0xfe: {  	[sflag:s23] =	ssyncadd.s32 $0xFFFFF800  }
0xff: {  	[spmem:s2] =	stream.indirect.scatter.add.f32 [tilespmem:s28], [sflag:$0x1], $0x10, s0, s26, $0xb8;
	[tilespmem:$0xE200] =	vst v63  }
0x100: {  	_ =	swait.ge [sflag:s23], $0x800  }
0x101: {  	[sflag:s23] =	ssyncset.done $0x0  }
0x102: {  	[sflag:s23] =	ssyncadd.s32 $0xFFFFF800  }
0x103: {  	[spmem:s2] =	stream.indirect.scatter.add.f32 [tilespmem:s28], [sflag:$0x1], $0x10, s1, s26, $0xb8;
	[tilespmem:$0xE200] =	vst v63  }
0x104: {  	_ =	swait.ge [sflag:s23], $0x800  }
0x105: {  	[sflag:s23] =	ssyncset.done $0x0  }
0x106: {  	[sflag:s23] =	ssyncadd.s32 $0xFFFFF800  }
0x107: {  	[spmem:s2] =	stream.indirect.scatter.add.f32 [tilespmem:s28], [sflag:$0x1], $0x10, s4, s26, $0xb8;
	[tilespmem:$0xE200] =	vst v63  }
0x108: {  	_ =	swait.ge [sflag:s23], $0x800  }
0x109: {  	[sflag:s23] =	ssyncset.done $0x0  }
0x10a: {  	[sflag:s23] =	ssyncadd.s32 $0xFFFFF800  }
0x10b: {  	[spmem:s2] =	stream.indirect.scatter.add.f32 [tilespmem:s28], [sflag:$0x1], $0x10, s5, s26, $0xb8;
	[tilespmem:$0xE200] =	vst v63  }
0x10c: {  	_ =	swait.ge [sflag:s23], $0x800  }
0x10d: {  	[sflag:s23] =	ssyncset.done $0x0  }
0x10e: {  	[sflag:s23] =	ssyncadd.s32 $0xFFFFF800  }
0x10f: {  	[spmem:s2] =	stream.indirect.scatter.add.f32 [tilespmem:s28], [sflag:$0x1], $0x10, s6, s26, $0xb8;
	[tilespmem:$0xE200] =	vst v63  }
0x110: {  	_ =	swait.ge [sflag:s23], $0x800  }
0x111: {  	[sflag:s23] =	ssyncset.done $0x0  }
0x112: {  	[sflag:s23] =	ssyncadd.s32 $0xFFFFF800  }
0x113: {  	[spmem:s2] =	stream.indirect.scatter.add.f32 [tilespmem:s28], [sflag:$0x1], $0x10, s8, s26, $0xb8;
	[tilespmem:$0xE200] =	vst v63  }
0x114: {  	_ =	swait.ge [sflag:s23], $0x800  }
0x115: {  	[sflag:s23] =	ssyncset.done $0x0  }
0x116: {  	[sflag:s23] =	ssyncadd.s32 $0xFFFFF800  }
0x117: {  	[spmem:s2] =	stream.indirect.scatter.add.f32 [tilespmem:s28], [sflag:$0x1], $0x10, s9, s26, $0xb8;
	[tilespmem:$0xE200] =	vst v63  }
0x118: {  	_ =	swait.ge [sflag:s23], $0x800  }
0x119: {  	[sflag:s23] =	ssyncset.done $0x0  }
0x11a: {  	[sflag:s23] =	ssyncadd.s32 $0xFFFFF800  }
0x11b: {  	[spmem:s2] =	stream.indirect.scatter.add.f32 [tilespmem:s28], [sflag:$0x1], $0x10, s10, s26, $0xb8;
	[tilespmem:$0xE200] =	vst v63  }
0x11c: {  	_ =	swait.ge [sflag:s23], $0x800  }
0x11d: {  	[sflag:s23] =	ssyncset.done $0x0  }
0x11e: {  	[sflag:s23] =	ssyncadd.s32 $0xFFFFF800  }
0x11f: {  	[spmem:s2] =	stream.indirect.scatter.add.f32 [tilespmem:s28], [sflag:$0x1], $0x10, s11, s26, $0xb8;
	[tilespmem:$0xE200] =	vst v63  }
0x120: {  	_ =	swait.ge [sflag:s23], $0x800  }
0x121: {  	[sflag:s23] =	ssyncset.done $0x0  }
0x122: {  	[sflag:s23] =	ssyncadd.s32 $0xFFFFF800  }
0x123: {  	[spmem:s2] =	stream.indirect.scatter.add.f32 [tilespmem:s28], [sflag:$0x1], $0x10, s12, s26, $0xb8;
	[tilespmem:$0xE200] =	vst v63  }
0x124: {  	_ =	swait.ge [sflag:s23], $0x800  }
0x125: {  	[sflag:s23] =	ssyncset.done $0x0  }
0x126: {  	[sflag:s23] =	ssyncadd.s32 $0xFFFFF800  }
0x127: {  	[spmem:s2] =	stream.indirect.scatter.add.f32 [tilespmem:s28], [sflag:$0x1], $0x10, s13, s26, $0xb8;
	[tilespmem:$0xE200] =	vst v63  }
0x128: {  	_ =	swait.ge [sflag:s23], $0x800  }
0x129: {  	[sflag:s23] =	ssyncset.done $0x0  }
0x12a: {  	[sflag:s23] =	ssyncadd.s32 $0xFFFFF800  }
0x12b: {  	[spmem:s2] =	stream.indirect.scatter.add.f32 [tilespmem:s28], [sflag:$0x1], $0x10, s14, s26, $0xb8;
	[tilespmem:$0xE200] =	vst v63  }
0x12c: {  	_ =	swait.ge [sflag:s23], $0x800  }
0x12d: {  	[sflag:s23] =	ssyncset.done $0x0  }
0x12e: {  	s17 =	rddreg [dreg:$0x3];
	[sflag:s23] =	ssyncadd.s32 $0xFFFFF800  }
0x12f: {  	[tilespmem:s24], [sflag:$0x1] =	stream.linear.gather [hbm4b:s17+s3], $0x400, $0x38;
	[tilespmem:$0xE200] =	vst v63  }
0x130: {  	_ =	swait.ge [sflag:s23], $0x400  }
0x131: {  	[sflag:s23] =	ssyncset.done $0x0  }
0x132: {  	[sflag:s23] =	ssyncadd.s32 $0xFFFFFC00  }
0x133: {  	[spmem:s2] =	stream.indirect.scatter.add.f32 [tilespmem:s28], [sflag:$0x1], $0x10, s24, s26, $0xb8;
	[tilespmem:$0xE200] =	vst v63  }
0x134: {  	_ =	swait.ge [sflag:s23], $0x800  }
0x135: {  	[sflag:s23] =	ssyncset.done $0x0  }
0x136: {  	[sflag:s23] =	ssyncadd.s32 $0xFFFFF800  }
0x137: {  	[spmem:s2] =	stream.indirect.scatter.add.f32 [tilespmem:s28], [sflag:$0x1], $0x10, s29, s26, $0xb8;
	[tilespmem:$0xE200] =	vst v63  }
0x138: {  	_ =	swait.ge [sflag:s23], $0x800  }
0x139: {  	[sflag:s23] =	ssyncset.done $0x0  }
0x13a: {  	[sflag:s23] =	ssyncadd.s32 $0xFFFFF800  }
0x13b: {  	[spmem:s2] =	stream.indirect.scatter.add.f32 [tilespmem:s28], [sflag:$0x1], $0x10, s30, s26, $0xb8;
	[tilespmem:$0xE200] =	vst v63  }
0x13c: {  	_ =	swait.ge [sflag:s23], $0x800  }
0x13d: {  	[sflag:s23] =	ssyncset.done $0x0  }
0x13e: {  	[sflag:s23] =	ssyncadd.s32 $0xFFFFF800  }
0x13f: {  	[spmem:s2] =	stream.indirect.scatter.add.f32 [tilespmem:s28], [sflag:$0x1], $0x10, s31, s26, $0xb8;
	[tilespmem:$0xE200] =	vst v63  }
0x140: {  	_ =	swait.ge [sflag:s23], $0x800  }
0x141: {  	[sflag:s23] =	ssyncset.done $0x0  }
0x142: {  	[sflag:s23] =	ssyncadd.s32 $0xFFFFF800  }
0x143: {  	[spmem:s2] =	stream.indirect.scatter.add.f32 [tilespmem:s28], [sflag:$0x1], $0x10, s0, s26, $0xb8;
	[tilespmem:$0xE200] =	vst v63  }
0x144: {  	_ =	swait.ge [sflag:s23], $0x800  }
0x145: {  	[sflag:s23] =	ssyncset.done $0x0  }
0x146: {  	[sflag:s23] =	ssyncadd.s32 $0xFFFFF800  }
0x147: {  	[spmem:s2] =	stream.indirect.scatter.add.f32 [tilespmem:s28], [sflag:$0x1], $0x10, s1, s26, $0xb8;
	[tilespmem:$0xE200] =	vst v63  }
0x148: {  	_ =	swait.ge [sflag:s23], $0x800  }
0x149: {  	[sflag:s23] =	ssyncset.done $0x0  }
0x14a: {  	[sflag:s23] =	ssyncadd.s32 $0xFFFFF800  }
0x14b: {  	[spmem:s2] =	stream.indirect.scatter.add.f32 [tilespmem:s28], [sflag:$0x1], $0x10, s4, s26, $0xb8;
	[tilespmem:$0xE200] =	vst v63  }
0x14c: {  	_ =	swait.ge [sflag:s23], $0x800  }
0x14d: {  	[sflag:s23] =	ssyncset.done $0x0  }
0x14e: {  	[sflag:s23] =	ssyncadd.s32 $0xFFFFF800  }
0x14f: {  	[spmem:s2] =	stream.indirect.scatter.add.f32 [tilespmem:s28], [sflag:$0x1], $0x10, s5, s26, $0xb8;
	[tilespmem:$0xE200] =	vst v63  }
0x150: {  	_ =	swait.ge [sflag:s23], $0x800  }
0x151: {  	[sflag:s23] =	ssyncset.done $0x0  }
0x152: {  	s18 =	stileid.u32;
	[sflag:s23] =	ssyncadd.s32 $0xFFFFF800  }
0x153: {  	s16 =	sshll.u32 s18, $0x6;
	[bflag:$0x0] =	sbarrier.arrive $0xFFFF  }
0x154: {  	s16 =	sor.u32 $0x1C01, s16;
	s17 =	rddreg [dreg:$0x4]  }
0x155: {  	[hbm:s17], [sflag:s16] =	dma.local [spmem:s25], $0x1880  }
0x156: {  	_ =	swait.ge [sflag:s23], $0x1880  }
0x157: {  	s15 =	sadd.s32 $0x1, s15;
	s19 =	rddreg [dreg:$0x5]  }
0x158: {  	p0 =	sne.s32 s15, s19  }
.Ltmp3:
0x159: {  	_ = 	snop;
	(pc) =	sbr.rel @p0 .LBB2_1-.Ltmp3, $3  }
0x15a: {  	_ =	sdelay $0x1  }
0x15b: {  	[sflag:s23] =	ssyncset.done $0x0  }
0x15c: {  	[sflag:s23] =	ssyncadd.s32 $0xFFFFE780  }
0x15d: {  	_ =	sfence.sel $0x180000  }
0x15e: {  	[bflag:$0x0] =	sbarrier.arrive $0xFFFF  }
0x15f: {  	_ =	strace $0x90000047  }
0x160: {  	s0 =	stileid.u32;
	[bflag:$0x2] =	sbarrier.arrive $0xFFFF  }
0x161: {  	p0 =	sne.s32 s0, $0x0;
	s0 =	rddreg [dreg:$0x2]  }
0x162: {  	s0 =	sadd.s32 @!p0 $0x100000, s0  }
0x163: {  	[sflag:s0] =	ssyncadd.tile.s32 @!p0 $0x1;
	_ =	shalt  }
.Lfunc_end2:
_tile_overlayer_lowered:
.L_overlay_start_2:
0x164: {  	(tag) =	ssettag $0x2  }
0x165: {  	s0 =	rddreg [dreg:$0x0];
	s2 =	stileid.u32  }
0x166: {  	s1 =	rddreg [dreg:$0x1];
	p0 =	sne.s32 s2, $0x0  }
0x167: {  	s3 =	rddreg [dreg:$0x2];
	[bflag:$0x3] =	sbarrier.arrive $0xFFFF;
	s2 =	simm.s32 @!p0 $0x1C01  }
0x168: {  	[timem:s3], [sflag:s2] =	dma.local @!p0 [hbm:s0], s1  }
0x169: {  	s0 =	simm.s32 @!p0 $0x1  }
0x16a: {  	_ =	swait.ge @!p0 [sflag:s0], s1  }
0x16b: {  	s1 =	ssub.s32 @!p0 $0x0, s1;
	[sflag:s0] =	ssyncset.done @!p0 $0x0  }
0x16c: {  	[sflag:s0] =	ssyncadd.s32 @!p0 s1  }
0x16d: {  	[bflag:$0x3] =	sbarrier.arrive $0xFFFF  }
0x16e: {  	_ =	shalt  }

// kernel: kernel.8.cloned.1.call-start
scs
__scs_entry_jumppad:
0x0: {  	(pc) =	sbr.rel $0x88, $3  }
0x1: {  	(tag) =	ssettag $0x0;
	lr =	simm.s32 $0x1  }
0x2: {  	[smem:$0x3F99] =	sst lr;
	_ =	strace $0xD0000000  }
0x3: {  	_ = 	snop  }
0x4: {  	_ = 	snop  }
0x5: {  	_ = 	snop  }
0x6: {  	_ = 	snop  }
0x7: {  	_ = 	snop  }
__scs_overlays_trampoline_lowered:
0x8: {  	[smem:$0x3FA8] =	sst s0  }
0x9: {  	[smem:$0x3FA9] =	sst s1  }
0xa: {  	[smem:$0x3FAA] =	sst s2  }
0xb: {  	[smem:$0x3FAB] =	sst s3  }
0xc: {  	[smem:$0x3FAC] =	sst s4  }
0xd: {  	[smem:$0x3FAD] =	sst s5  }
0xe: {  	[smem:$0x3FAE] =	sst s6  }
0xf: {  	[smem:$0x3FAF] =	sst s7  }
0x10: {  	[smem:$0x3FB0] =	sst s8  }
0x11: {  	[smem:$0x3FB1] =	sst s9;
	s0 =	simm.s32 @!p0 $0x0  }
0x12: {  	s1 =	sld [smem:$0x3F97];
	s0 =	simm.s32 @p0 $0x1  }
0x13: {  	[smem:$0x3FB2] =	sst s0;
	s0 =	simm.s32 @!p1 $0x0  }
0x14: {  	s2 =	sld [smem:$0x3F96];
	s0 =	simm.s32 @p1 $0x1  }
0x15: {  	[smem:$0x3FB3] =	sst s0;
	s0 =	simm.s32 @!p2 $0x0  }
0x16: {  	s3 =	sld [smem:$0x3FDB];
	s0 =	simm.s32 @p2 $0x1  }
0x17: {  	s4 =	simm.s32 $0x1BF5;
	[smem:$0x3FB5] =	sst s0  }
0x18: {  	s0 =	sld [smem:$0x3F98];
	_ =	swait.ge [sflag:s4], $0x0  }
0x19: {  	s7 =	sld [smem:$0x3F99]  }
0x1a: {  	s8 =	sadd.s32 $0xFFFFE003, lr  }
0x1b: {  	s9 =	sadd.s32 $0xFFFFFEF7, lr;
	s5 =	simm.s32 $0xFFFFFFFF;
	p2 =	slt.u32 s8, $0xFFFFF086  }
0x1c: {  	p1 =	slt.u32 s9, $0xF7A;
	s5 =	simm.s32 @!p2 $0x0  }
0x1d: {  	s5 =	simm.s32 @p1 $0x1;
	p0 =	seq.s32 s7, s2  }
0x1e: {  	s7 =	smul.u32 @!p0 $0xF7A, s2;
	p2 =	seq.s32 @!p0 s5, $0x0  }
0x1f: {  	s9 =	smul.u32 $0xF7A, s1;
	s8 =	simm.s32 @!p0 $0x1BF5;
	p2 =	por !p2, p0  }
0x20: {  	[sflag:s8] =	ssyncset.s32 @!p0 $0xFFFFF086;
	s6 =	sadd.s32 @!p0 s3, s7;
	s7 =	simm.s32 @!p0 $0x108  }
0x21: {  	s3 =	sadd.s32 s3, s9;
	s6 =	sadd.s32 @!p0 $0x88, s6;
	s7 =	simm.s32 @p2 $0x1082  }
0x22: {  	[simem:s7], [sflag:s8] =	dma.local @!p0 [hbm:s6], $0xF7A  }
0x23: {  	s9 =	sor.u32 $0xD0000000, s2;
	s6 =	simm.s32 $0x108;
	_ =	swait.ge @!p0 [sflag:s8], $0x0  }
0x24: {  	s3 =	sadd.s32 $0x88, s3;
	s6 =	simm.s32 @!p1 $0x1082;
	[sflag:s4] =	ssyncset.s32 $0xFFFFF086  }
0x25: {  	[simem:s6], [sflag:s4] =	dma.local [hbm:s3], $0xF7A  }
0x26: {  	[smem:$0x3F99] =	sst s1;
	(tag) =	ssettag s2;
	_ =	strace s9  }
0x27: {  	s1 =	sld [smem:$0x3FA9]  }
0x28: {  	s2 =	sld [smem:$0x3FAA]  }
0x29: {  	s4 =	sld [smem:$0x3FAC]  }
0x2a: {  	p0 =	seq.s32 s5, $0x0;
	s5 =	sld [smem:$0x3FAD]  }
0x2b: {  	s6 =	sld [smem:$0x3FAE]  }
0x2c: {  	s7 =	sld [smem:$0x3FAF]  }
0x2d: {  	s3 =	simm.s32 $0x108;
	s8 =	sld [smem:$0x3FB0]  }
0x2e: {  	s3 =	simm.s32 @!p0 $0x1082;
	s9 =	sld [smem:$0x3FB1]  }
0x2f: {  	lr =	sadd.s32 s0, s3;
	s0 =	sld [smem:$0x3FA8]  }
0x30: {  	s3 =	sld [smem:$0x3FAB]  }
0x31: {  	[smem:$0x3FB4] =	sst s10  }
0x32: {  	s10 =	sld [smem:$0x3FB2];
	_ =	sdelay $0x3  }
0x33: {  	p0 =	seq.s32 s10, $0x1;
	s10 =	sld [smem:$0x3FB4];
	_ =	sdelay $0x3  }
0x34: {  	[smem:$0x3FB4] =	sst s10  }
0x35: {  	s10 =	sld [smem:$0x3FB3];
	_ =	sdelay $0x3  }
0x36: {  	p1 =	seq.s32 s10, $0x1;
	s10 =	sld [smem:$0x3FB4];
	_ =	sdelay $0x3  }
0x37: {  	[smem:$0x3FB4] =	sst s10  }
0x38: {  	s10 =	sld [smem:$0x3FB5]  }
0x39: {  	_ = 	snop;
	(pc) =	sbr.ind lr, $3  }
0x3a: {  	_ = 	snop  }
0x3b: {  	_ = 	snop  }
0x3c: {  	p2 =	seq.s32 s10, $0x1;
	s10 =	sld [smem:$0x3FB4]  }
0x3d: {  	_ =	shalt  }
0x3e: {  	_ =	shalt  }
0x3f: {  	_ =	shalt  }
0x40: {  	_ =	shalt  }
0x41: {  	_ =	shalt  }
0x42: {  	_ =	shalt  }
0x43: {  	_ =	shalt  }
0x44: {  	_ =	shalt  }
0x45: {  	_ =	shalt  }
0x46: {  	_ =	shalt  }
0x47: {  	_ =	shalt  }
0x48: {  	_ =	shalt  }
0x49: {  	_ =	shalt  }
0x4a: {  	_ =	shalt  }
0x4b: {  	_ =	shalt  }
0x4c: {  	_ =	shalt  }
0x4d: {  	_ =	shalt  }
0x4e: {  	_ =	shalt  }
0x4f: {  	_ =	shalt  }
0x50: {  	_ =	shalt  }
0x51: {  	_ =	shalt  }
0x52: {  	_ =	shalt  }
0x53: {  	_ =	shalt  }
0x54: {  	_ =	shalt  }
0x55: {  	_ =	shalt  }
0x56: {  	_ =	shalt  }
0x57: {  	_ =	shalt  }
0x58: {  	_ =	shalt  }
0x59: {  	_ =	shalt  }
0x5a: {  	_ =	shalt  }
0x5b: {  	_ =	shalt  }
0x5c: {  	_ =	shalt  }
0x5d: {  	_ =	shalt  }
0x5e: {  	_ =	shalt  }
0x5f: {  	_ =	shalt  }
0x60: {  	_ =	shalt  }
0x61: {  	_ =	shalt  }
0x62: {  	_ =	shalt  }
0x63: {  	_ =	shalt  }
0x64: {  	_ =	shalt  }
0x65: {  	_ =	shalt  }
0x66: {  	_ =	shalt  }
0x67: {  	_ =	shalt  }
0x68: {  	_ =	shalt  }
0x69: {  	_ =	shalt  }
0x6a: {  	_ =	shalt  }
0x6b: {  	_ =	shalt  }
0x6c: {  	_ =	shalt  }
0x6d: {  	_ =	shalt  }
0x6e: {  	_ =	shalt  }
0x6f: {  	_ =	shalt  }
0x70: {  	_ =	shalt  }
0x71: {  	_ =	shalt  }
0x72: {  	_ =	shalt  }
0x73: {  	_ =	shalt  }
0x74: {  	_ =	shalt  }
0x75: {  	_ =	shalt  }
0x76: {  	_ =	shalt  }
0x77: {  	_ =	shalt  }
0x78: {  	_ =	shalt  }
0x79: {  	_ =	shalt  }
0x7a: {  	_ =	shalt  }
0x7b: {  	_ =	shalt  }
0x7c: {  	_ =	shalt  }
0x7d: {  	_ =	shalt  }
0x7e: {  	_ =	shalt  }
0x7f: {  	_ =	shalt  }
0x80: {  	_ =	shalt  }
0x81: {  	_ =	shalt  }
0x82: {  	_ =	shalt  }
0x83: {  	_ =	shalt  }
0x84: {  	_ =	shalt  }
0x85: {  	_ =	shalt  }
0x86: {  	_ =	shalt  }
0x87: {  	_ =	shalt  }
.Lfunc_end0:
.L_simem_size_0:
called_computation.1_lowered:
.L_overlay_start_0:
0x88: {  	s0 =	sld [smem:$0x3FD9]  }
0x89: {  	s1 =	sld [smem:$0x3FFE];
	_ =	sdelay $0x3  }
0x8a: {  	s0 =	sadd.s32 s1, s0  }
0x8b: {  	[smem:$0x3FC0] =	sst s0  }
0x8c: {  	_ = 	snop  }
0x8d: {  	(tm) =	ssettm $0x1  }
0x8e: {  	s15 =	sld [smem:$0x3FFB];
	_ =	sdelay $0x3  }
0x8f: {  	_ =	strace s15  }
0x90: {  	s0 =	sld [smem:$0x3FFC];
	_ =	sdelay $0x3  }
0x91: {  	_ =	strace s0  }
0x92: {  	s0 =	sld [smem:$0x3FFD];
	_ =	sdelay $0x3  }
0x93: {  	_ =	strace s0  }
0x94: {  	_ =	strace $0x8FFFFFFF  }
0x95: {  	s16 =	sld [smem:$0x3FDB];
	_ =	sdelay $0x1  }
0x96: {  	s17 =	simm.s32 $_scs_section_size  }
0x97: {  	s2 =	simm.s32 $_size__tile_overlayer_lowered;
	s3 =	simm.s32 $_tile_overlayer_lowered  }
0x98: {  	s20 =	simm.s32 $0x1BFF;
	s19 =	sshll.u32 s3, $0x1;
	s0 =	sadd.s32 s17, s16  }
0x99: {  	s4 =	simm.s32 $0x0;
	s18 =	sshll.u32 s2, $0x1;
	s2 =	sadd.s32 s19, s0  }
0x9a: {  	[timem:s4], [sflag:s20] =	dma.local [hbm:s2], s18  }
0x9b: {  	_ =	swait.ge [sflag:s20], s18  }
0x9c: {  	s1 =	ssub.s32 $0x0, s18;
	[sflag:s20] =	ssyncset.done $0x0  }
0x9d: {  	[sflag:s20] =	ssyncadd.s32 s1;
	_ =	sdelay $0x1  }
0x9e: {  	s21 =	simm.s32 $0x1B8B  }
0x9f: {  	_ =	swait.ge [sflag:s21], $0x1  }
0xa0: {  	[sflag:s21] =	ssyncset.done $0x0  }
0xa1: {  	s23 =	simm.s32 $0x1B8E;
	s22 =	sld [smem:$0x3FFE];
	[sflag:s21] =	ssyncadd.s32 $0xFFFFFFFF  }
0xa2: {  	s24 =	simm.s32 $execute0_lowered;
	[smem:$0x3FD2] =	sst s23  }
0xa3: {  	s2 =	sshll.u32 s24, $0x1;
	_ =	strace $0x80000049;
	[dreg:$0x1] =	wrdreg $0xFFFFFFFF  }
0xa4: {  	s25 =	simm.s32 $_size_execute0_lowered;
	s0 =	sadd.s32 s0, s2;
	[dreg:$0x0] =	wrdreg $0x0  }
0xa5: {  	s2 =	sshll.u32 s25, $0x1;
	[dreg:$0x2] =	wrdreg s0  }
0xa6: {  	[dreg:$0x3] =	wrdreg s2  }
0xa7: {  	[dreg:$0x4] =	wrdreg $0xC0  }
0xa8: {  	_ =	task [dreg:s4], $0x5FFFF  }
0xa9: {  	[dreg:$0x1] =	wrdreg $0xFFFFFFFF  }
0xaa: {  	[dreg:$0x0] =	wrdreg $0x60  }
0xab: {  	[dreg:$0x2] =	wrdreg s22  }
0xac: {  	[dreg:$0x3] =	wrdreg $0x0  }
0xad: {  	[dreg:$0x4] =	wrdreg $0xC4000  }
0xae: {  	[dreg:$0x5] =	wrdreg $0x9  }
0xaf: {  	_ =	task.clear_ibuf [dreg:s4], $0x6FFFF;
	_ =	strace $0x90000049  }
0xb0: {  	s26 =	simm.s32 $0x9;
	_ =	strace $0x8000004B  }
0xb1: {  	_ =	swait.ge [sflag:s26], $0x1  }
0xb2: {  	[sflag:s26] =	ssyncadd.s32 $0xFFFFFFFF  }
0xb3: {  	_ =	strace $0x9000004B  }
0xb4: {  	_ =	sfence  }
0xb5: {  	s28 =	sld [smem:$0x0];
	_ =	sdelay $0x1  }
0xb6: {  	s29 =	srdreg.scid  }
0xb7: {  	s30 =	sshll.u32 s29, $0xD;
	s31 =	sshrl.u32 s29, $0x2  }
0xb8: {  	s1 =	sand.u32 $0x1, s29;
	s2 =	sand.u32 $0x4000, s30;
	s0 =	sadd.s32 s31, s28  }
0xb9: {  	s1 =	sor.u32 s2, s1;
	s0 =	sshll.u32 s0, $0x11  }
0xba: {  	s0 =	sor.u32 s0, s1  }
0xbb: {  	s0 =	sadd.s32 $0x8F2B, s0  }
0xbc: {  	[sflag:s0] =	ssyncadd.remote.s32 $0x1  }
0xbd: {  	_ =	sfence.sel $0xFFFF  }
0xbe: {  	[dreg:$0x0] =	wrdreg $0xFFFFFFFF;
	(pc) =	sbr.abs _section_cstart, $3  }
0xbf: {  	[dreg:$0x1] =	wrdreg $0xFFFFFFFF  }
0xc0: {  	_ =	task.clear_ibuf [dreg:s4], $0x2FFFF;
	_ =	strace $0x9FFFFFFF  }
0xc1: {  	(tm) =	ssettm $0x7FFFFFFF  }
tec
execute0_lowered:
.L_overlay_start_1:
0x0: {  	(tag) =	ssettag $0x1  }
0x1: {  	s2 =	rddreg [dreg:$0x0]  }
0x2: {  	s4 =	rddreg [dreg:$0x1];
	s0 =	simm.s32 $0x0  }
0x3: {  	v0 =	vimm.f32 $0.0e+00;
	[smem:$0x7FF] =	sst s0  }
0x4: {  	s7 =	rddreg [dreg:$0x2];
	_ =	strace $0x8000004A;
	[tilespmem:$0x1F200] =	vst v0  }
0x5: {  	[tilespmem:$0x1F210] =	vst v0  }
0x6: {  	s21 =	stileid.u32;
	[tilespmem:$0x1F220] =	vst v0  }
0x7: {  	s5 =	smul.u32 $0x1880, s21;
	[tilespmem:$0x1F230] =	vst v0  }
0x8: {  	[tilespmem:$0x1F240] =	vst v0  }
0x9: {  	[tilespmem:$0x1F250] =	vst v0;
	s1 =	sadd.s32 s5, s2  }
0xa: {  	s3 =	simm.s32 $0x1D600;
	[tilespmem:$0x1F260] =	vst v0;
	s12 =	sadd.s32 $0x7B200, s1  }
0xb: {  	s6 =	smul.u32 $0x31000, s21;
	[tilespmem:$0x1F270] =	vst v0;
	s1 =	simm.s32 $0xA;
	s8 =	sadd.s32 $0x0, s12  }
0xc: {  	[tilespmem:s3], [sflag:$0xA] =	stream.linear.gather [hbm4b:s8+s0], $0xE00, $0x38;
	[tilespmem:$0x1F300] =	vst v63  }
0xd: {  	_ =	swait.ge [sflag:s1], $0xE00  }
0xe: {  	s13 =	simm.s32 $0x1C800;
	s15 =	sshrl.u32 s6, $0x2;
	[sflag:s1] =	ssyncset.done $0x0  }
0xf: {  	s16 =	simm.s32 $0x1C0;
	s17 =	sadd.s32 s15, s4;
	[sflag:s1] =	ssyncadd.s32 $0xFFFFF200  }
0x10: {  	[spmem:s17] =	stream.linear.scatter [tilespmem:s3], [sflag:$0xA], $0xE00, $0x38;
	[tilespmem:$0x1F300] =	vst v63  }
0x11: {  	s9 =	sadd.s32 $0x62A00, s2;
	s10 =	sadd.s32 $0xA00, s2;
	_ =	swait.ge [sflag:s1], $0xE00  }
0x12: {  	s30 =	sadd.s32 $0x31A00, s2;
	s14 =	sadd.s32 s5, s9;
	[sflag:s1] =	ssyncset.done $0x0  }
0x13: {  	s5 =	sadd.s32 $0x0, s14;
	[dreg:$0x5] =	wrdreg s30;
	[sflag:s1] =	ssyncadd.s32 $0xFFFFF200  }
0x14: {  	[tilespmem:s13], [sflag:$0xA] =	stream.linear.gather [hbm4b:s5+s0], $0xE00, $0x38;
	[tilespmem:$0x1F300] =	vst v63  }
0x15: {  	s11 =	sadd.s32 $0x4A200, s2;
	s31 =	sadd.s32 $0x93C00, s2;
	_ =	swait.ge [sflag:s1], $0xE00  }
0x16: {  	s6 =	smul.u32 $0xC40, s21;
	s15 =	sadd.s32 s15, s7;
	[sflag:s1] =	ssyncset.done $0x0  }
0x17: {  	s8 =	sadd.s32 $0x126000, s2;
	[dreg:$0x4] =	wrdreg s31;
	[sflag:s1] =	ssyncadd.s32 $0xFFFFF200  }
0x18: {  	[spmem:s15] =	stream.linear.scatter [tilespmem:s13], [sflag:$0xA], $0xE00, $0x38;
	[tilespmem:$0x1F300] =	vst v63  }
0x19: {  	s2 =	sadd.s32 $0x93A00, s2;
	s17 =	sadd.s32 $0xE00, s17;
	_ =	swait.ge [sflag:s1], $0xE00  }
0x1a: {  	s5 =	simm.s32 $0x380;
	s15 =	sadd.s32 $0xE00, s15;
	[sflag:s1] =	ssyncset.done $0x0  }
.LBB2_1:
0x1b: {  	s18 =	sadd.s32 s16, s12  }
0x1c: {  	[sflag:s1] =	ssyncadd.s32 $0xFFFFF200;
	s19 =	smov.u32 s5;
	s20 =	sadd.s32 $0x1C0, s5  }
0x1d: {  	[tilespmem:s3], [sflag:$0xA] =	stream.linear.gather [hbm4b:s18+s0], $0xE00, $0x38;
	[tilespmem:$0x1F300] =	vst v63  }
0x1e: {  	p0 =	sne.s32 s5, $0x16C0;
	_ =	swait.ge [sflag:s1], $0xE00  }
0x1f: {  	[sflag:s1] =	ssyncset.done $0x0  }
0x20: {  	[sflag:s1] =	ssyncadd.s32 $0xFFFFF200  }
0x21: {  	[spmem:s17] =	stream.linear.scatter [tilespmem:s3], [sflag:$0xA], $0xE00, $0x38;
	[tilespmem:$0x1F300] =	vst v63  }
0x22: {  	_ =	swait.ge [sflag:s1], $0xE00  }
0x23: {  	[sflag:s1] =	ssyncset.done $0x0  }
0x24: {  	s5 =	sadd.s32 s16, s14;
	s16 =	smov.u32 s19;
	[sflag:s1] =	ssyncadd.s32 $0xFFFFF200  }
0x25: {  	[tilespmem:s13], [sflag:$0xA] =	stream.linear.gather [hbm4b:s5+s0], $0xE00, $0x38;
	[tilespmem:$0x1F300] =	vst v63  }
0x26: {  	_ =	swait.ge [sflag:s1], $0xE00  }
.Ltmp0:
0x27: {  	[sflag:s1] =	ssyncset.done $0x0;
	(pc) =	sbr.rel @p0 .LBB2_1-.Ltmp0, $4  }
0x28: {  	[sflag:s1] =	ssyncadd.s32 $0xFFFFF200  }
0x29: {  	[spmem:s15] =	stream.linear.scatter [tilespmem:s13], [sflag:$0xA], $0xE00, $0x38;
	[tilespmem:$0x1F300] =	vst v63  }
0x2a: {  	s17 =	sadd.s32 $0xE00, s17;
	_ =	swait.ge [sflag:s1], $0xE00  }
0x2b: {  	s5 =	smov.u32 s20;
	s15 =	sadd.s32 $0xE00, s15;
	[sflag:s1] =	ssyncset.done $0x0  }
0x2c: {  	s5 =	sadd.s32 s16, s12;
	[sflag:s1] =	ssyncadd.s32 $0xFFFFF200  }
0x2d: {  	[tilespmem:s3], [sflag:$0xA] =	stream.linear.gather [hbm4b:s5+s0], $0xE00, $0x38;
	[tilespmem:$0x1F300] =	vst v63  }
0x2e: {  	_ =	swait.ge [sflag:s1], $0xE00  }
0x2f: {  	s20 =	sadd.s32 s16, s14;
	s12 =	smul.u32 $0x18800, s21;
	[sflag:s1] =	ssyncset.done $0x0  }
0x30: {  	s22 =	smul.u32 $0x3100, s21;
	s19 =	simm.s32 $0xA;
	[sflag:s1] =	ssyncadd.s32 $0xFFFFF200  }
0x31: {  	[spmem:s17] =	stream.linear.scatter [tilespmem:s3], [sflag:$0xA], $0xE00, $0x38;
	[tilespmem:$0x1F300] =	vst v63  }
0x32: {  	s28 =	simm.s32 $0x5;
	s29 =	simm.s32 $0x6;
	_ =	swait.ge [sflag:s1], $0xE00  }
0x33: {  	s30 =	simm.s32 $0x7;
	s31 =	simm.s32 $0x8;
	[sflag:s1] =	ssyncset.done $0x0  }
0x34: {  	s21 =	simm.s32 $0x0;
	s23 =	sshrl.u32 s12, $0x3;
	[sflag:s1] =	ssyncadd.s32 $0xFFFFF200  }
0x35: {  	[tilespmem:s13], [sflag:$0xA] =	stream.linear.gather [hbm4b:s20+s0], $0xE00, $0x38;
	[tilespmem:$0x1F300] =	vst v63  }
0x36: {  	s25 =	sadd.s32 s8, s22;
	s24 =	sadd.s32 $0x100, s23;
	_ =	swait.ge [sflag:s1], $0xE00  }
0x37: {  	s23 =	simm.s32 $0x80;
	s26 =	sadd.s32 s8, s24;
	[sflag:s1] =	ssyncset.done $0x0  }
0x38: {  	s16 =	sadd.s32 s10, s24;
	s17 =	simm.s32 $0x0;
	[sflag:s1] =	ssyncadd.s32 $0xFFFFF200  }
0x39: {  	[spmem:s15] =	stream.linear.scatter [tilespmem:s13], [sflag:$0xA], $0xE00, $0x38;
	[tilespmem:$0x1F300] =	vst v63  }
0x3a: {  	s0 =	sadd.s32 s10, s22;
	_ =	swait.ge [sflag:s1], $0xE00;
	[dreg:$0x6] =	wrdreg s25  }
0x3b: {  	s3 =	simm.s32 $0x1E400;
	[dreg:$0x7] =	wrdreg s0;
	[sflag:s1] =	ssyncset.done $0x0  }
0x3c: {  	s20 =	simm.s32 $0x9;
	[dreg:$0x8] =	wrdreg s26;
	[sflag:s1] =	ssyncadd.s32 $0xFFFFF200  }
0x3d: {  	s0 =	simm.s32 $0x1C800;
	s1 =	simm.s32 $0x1D600;
	[bflag:$0x0] =	sbarrier.arrive $0xFFFF  }
.LBB2_3:
0x3e: {  	s5 =	rddreg [dreg:$0x6];
	s13 =	simm.s32 $0x18800  }
0x3f: {  	[tilespmem:s13], [sflag:$0xA] =	stream.linear.gather [hbm4b:s5+s17], $0x800, $0x38;
	[tilespmem:$0x1F300] =	vst v63  }
0x40: {  	_ =	swait.ge [sflag:s19], $0x800  }
0x41: {  	[sflag:s19] =	ssyncset.done $0x0  }
0x42: {  	s14 =	simm.s32 $0x19800;
	s26 =	rddreg [dreg:$0x7];
	[sflag:s19] =	ssyncadd.s32 $0xFFFFF800  }
0x43: {  	[tilespmem:s14], [sflag:$0xA] =	stream.linear.gather [hbm4b:s26+s17], $0x800, $0x38;
	[tilespmem:$0x1F300] =	vst v63  }
0x44: {  	_ =	swait.ge [sflag:s19], $0x800  }
0x45: {  	[sflag:s19] =	ssyncset.done $0x0  }
0x46: {  	s18 =	simm.s32 $0x19000;
	s15 =	rddreg [dreg:$0x8];
	[sflag:s19] =	ssyncadd.s32 $0xFFFFF800  }
0x47: {  	[tilespmem:s18], [sflag:$0x9] =	stream.linear.gather [hbm4b:s15+s17], $0x800, $0x38;
	[tilespmem:$0x1F300] =	vst v63  }
0x48: {  	s22 =	simm.s32 $0x1A000  }
0x49: {  	[tilespmem:s22], [sflag:$0x9] =	stream.linear.gather [hbm4b:s16+s17], $0x800, $0x38;
	[tilespmem:$0x1F300] =	vst v63  }
0x4a: {  	s24 =	simm.s32 $0x1A800;
	s25 =	simm.s32 $0x18880  }
0x4b: {  	[tilespmem:s24], [sflag:$0x1] =	stream.indirect.gather [spmem:s4], $0x10, s13, s23, $0xb8;
	[tilespmem:$0x1F300] =	vst v63  }
0x4c: {  	s26 =	simm.s32 $0x1B000;
	s22 =	simm.s32 $0x2;
	s24 =	simm.s32 $0x0  }
0x4d: {  	[tilespmem:s26], [sflag:$0x2] =	stream.indirect.gather [spmem:s4], $0x10, s25, s23, $0xb8;
	[tilespmem:$0x1F300] =	vst v63  }
.LBB2_4:
0x4e: {  	s5 =	sadd.s32 $0xFFFFFFFE, s22  }
0x4f: {  	s13 =	sand.u32 $0xF, s5;
	p0 =	sgt.u32 s5, $0x302  }
0x50: {  	p1 =	sne.s32 @!p0 s13, $0x2  }
0x51: {  	s14 =	sand.u32 $0x3, s5;
	s15 =	sshll.u32 s5, $0x7;
	p0 =	por p0, p1  }
.Ltmp1:
0x52: {  	s25 =	sshll.u32 s14, $0xB;
	s26 =	sadd.s32 $0x1, s14;
	(pc) =	sbr.rel @p0 .LBB2_6-.Ltmp1, $4  }
0x53: {  	s15 =	sand.u32 $0x800, s15;
	s18 =	sshll.u32 s13, $0x7;
	_ =	swait.ge [sflag:s26], $0x800  }
0x54: {  	s14 =	sadd.s32 $0x5, s14;
	s15 =	sor.u32 s18, s15;
	[sflag:s26] =	ssyncset.done $0x0  }
0x55: {  	s25 =	sadd.s32 $0x1A800, s25;
	s15 =	sadd.s32 $0x19800, s15;
	[sflag:s26] =	ssyncadd.s32 $0xFFFFF800  }
0x56: {  	[spmem:s7] =	stream.indirect.scatter.add.f32 [tilespmem:s25], [sflag:s14], $0x10, s15, s23, $0xb8;
	[tilespmem:$0x1F300] =	vst v63  }
0x57: {  	s5 =	sshrl.u32 s5, $0x4  }
0x58: {  	s5 =	sshll.u32 s5, $0xB  }
0x59: {  	s5 =	sadd.s32 $0x800, s5  }
0x5a: {  	s13 =	sadd.s32 s12, s5  }
.Ltmp2:
0x5b: {  	s5 =	sand.u32 $0x800, s5;
	s13 =	sshrl.u32 s13, $0x3;
	(pc) =	sbr.rel .LBB2_8-.Ltmp2, $4  }
0x5c: {  	s14 =	sadd.s32 $0x18800, s5;
	s15 =	sadd.s32 s8, s13  }
0x5d: {  	[tilespmem:s14], [sflag:$0x9] =	stream.linear.gather [hbm4b:s15+s17], $0x800, $0x38;
	[tilespmem:$0x1F300] =	vst v63  }
0x5e: {  	s5 =	sadd.s32 $0x19800, s5;
	s13 =	sadd.s32 s10, s13  }
0x5f: {  	[tilespmem:s5], [sflag:$0x9] =	stream.linear.gather [hbm4b:s13+s17], $0x800, $0x38;
	[tilespmem:$0x1F300] =	vst v63  }
.LBB2_6:
0x60: {  	p0 =	sgt.u32 s5, $0x2FF  }
0x61: {  	p1 =	sne.s32 @!p0 s13, $0xE  }
0x62: {  	p0 =	por p0, p1  }
.Ltmp3:
0x63: {  	_ = 	snop;
	(pc) =	sbr.rel @p0 .LBB2_9-.Ltmp3, $1  }
0x64: {  	_ =	sdelay $0x3  }
0x65: {  	_ =	swait.ge [sflag:s20], $0x800  }
0x66: {  	[sflag:s20] =	ssyncset.done $0x0  }
0x67: {  	[sflag:s20] =	ssyncadd.s32 $0xFFFFF800  }
0x68: {  	_ =	swait.ge [sflag:s20], $0x800  }
0x69: {  	[sflag:s20] =	ssyncset.done $0x0  }
0x6a: {  	[sflag:s20] =	ssyncadd.s32 $0xFFFFF800  }
.LBB2_8:
0x6b: {  	s13 =	sadd.s32 $0x2, s24;
	s5 =	sand.u32 $0x3, s22  }
.LBB2_13:
0x6c: {  	s14 =	sadd.s32 $0x5, s5  }
0x6d: {  	_ =	swait.ge [sflag:s14], $0x800  }
0x6e: {  	[sflag:s14] =	ssyncset.done $0x0  }
0x6f: {  	[sflag:s14] =	ssyncadd.s32 $0xFFFFF800  }
.LBB2_14:
0x70: {  	s13 =	sshll.u32 s13, $0x7  }
0x71: {  	s14 =	sshll.u32 s5, $0xB;
	s13 =	sand.u32 $0xF80, s13  }
0x72: {  	s26 =	sadd.s32 $0x1, s5;
	s14 =	sadd.s32 $0x1A800, s14;
	s13 =	sadd.s32 $0x18800, s13  }
0x73: {  	[tilespmem:s14], [sflag:s26] =	stream.indirect.gather [spmem:s4], $0x10, s13, s23, $0xb8;
	[tilespmem:$0x1F300] =	vst v63  }
.LBB2_15:
0x74: {  	s22 =	sadd.s32 $0x1, s22  }
0x75: {  	p0 =	sne.s32 s22, $0x312  }
.Ltmp4:
0x76: {  	_ = 	snop;
	(pc) =	sbr.rel @p0 .LBB2_4-.Ltmp4, $4  }
.Ltmp5:
0x77: {  	_ = 	snop;
	(pc) =	sbr.rel @!p0 .LBB2_16-.Ltmp5, $4  }
0x78: {  	_ = 	snop  }
0x79: {  	_ = 	snop  }
0x7a: {  	s24 =	sadd.s32 $0x1, s24  }
0x7b: {  	_ = 	snop  }
.LBB2_9:
0x7c: {  	p0 =	sgt.u32 s5, $0x30D  }
.Ltmp6:
0x7d: {  	_ = 	snop;
	(pc) =	sbr.rel @p0 .LBB2_15-.Ltmp6, $1  }
0x7e: {  	_ =	sdelay $0x3  }
0x7f: {  	p0 =	slt.u32 s5, $0x2  }
.Ltmp7:
0x80: {  	_ = 	snop;
	(pc) =	sbr.rel @p0 .LBB2_11-.Ltmp7, $2  }
0x81: {  	_ =	sdelay $0x2  }
0x82: {  	s5 =	sand.u32 $0x3, s22  }
.Ltmp8:
0x83: {  	(pc) =	sbr.rel .LBB2_13-.Ltmp8, $2  }
0x84: {  	_ =	sdelay $0x2  }
0x85: {  	s13 =	sadd.s32 $0x2, s24  }
.LBB2_11:
.Ltmp9:
0x86: {  	(pc) =	sbr.rel .LBB2_14-.Ltmp9, $2  }
0x87: {  	_ =	sdelay $0x2  }
0x88: {  	s13 =	smov.u32 s22  }
.LBB2_16:
0x89: {  	_ =	swait.ge [sflag:s28], $0x800  }
0x8a: {  	[sflag:s28] =	ssyncset.done $0x0  }
0x8b: {  	[sflag:s28] =	ssyncadd.s32 $0xFFFFF800  }
0x8c: {  	_ =	swait.ge [sflag:s29], $0x800  }
0x8d: {  	[sflag:s29] =	ssyncset.done $0x0  }
0x8e: {  	[sflag:s29] =	ssyncadd.s32 $0xFFFFF800  }
0x8f: {  	_ =	swait.ge [sflag:s30], $0x800  }
0x90: {  	[sflag:s30] =	ssyncset.done $0x0  }
0x91: {  	[sflag:s30] =	ssyncadd.s32 $0xFFFFF800  }
0x92: {  	_ =	swait.ge [sflag:s31], $0x800  }
0x93: {  	[sflag:s31] =	ssyncset.done $0x0  }
0x94: {  	[sflag:s31] =	ssyncadd.s32 $0xFFFFF800  }
0x95: {  	s22 =	simm.s32 $0x0;
	s24 =	simm.s32 $0x0;
	[bflag:$0x0] =	sbarrier.arrive $0xFFFF  }
.LBB2_17:
0x96: {  	s5 =	smul.u32 $0xE0, s24;
	_ =	sdelay $0x1  }
0x97: {  	s5 =	sadd.s32 s6, s5  }
0x98: {  	s13 =	sshll.u32 s5, $0x4  }
0x99: {  	s25 =	sadd.s32 s13, s7  }
0x9a: {  	[tilespmem:s0], [sflag:$0xA] =	stream.linear.gather [spmem:s25], $0xE00, $0x38;
	[tilespmem:$0x1F300] =	vst v63  }
0x9b: {  	_ =	swait.ge [sflag:s19], $0xE00  }
0x9c: {  	[sflag:s19] =	ssyncset.done $0x0  }
0x9d: {  	s26 =	sadd.s32 s13, s4;
	[sflag:s19] =	ssyncadd.s32 $0xFFFFF200  }
0x9e: {  	[tilespmem:s1], [sflag:$0xA] =	stream.linear.gather [spmem:s26], $0xE00, $0x38;
	[tilespmem:$0x1F300] =	vst v63  }
0x9f: {  	_ =	swait.ge [sflag:s19], $0xE00  }
0xa0: {  	s5 =	sshll.u32 s5, $0x1;
	[sflag:s19] =	ssyncset.done $0x0  }
0xa1: {  	s18 =	sadd.s32 s11, s5;
	[sflag:s19] =	ssyncadd.s32 $0xFFFFF200  }
0xa2: {  	[tilespmem:s3], [sflag:$0xA] =	stream.linear.gather [hbm4b:s18+s22], $0xE00, $0x38;
	[tilespmem:$0x1F300] =	vst v63  }
0xa3: {  	_ =	swait.ge [sflag:s19], $0xE00  }
0xa4: {  	[sflag:s19] =	ssyncset.done $0x0  }
0xa5: {  	s13 =	simm.s32 $0x0;
	[sflag:s19] =	ssyncadd.s32 $0xFFFFF200  }
0xa6: {  	s14 =	simm.s32 $0x40;
	v0 =	vld [tilespmem:s13+$0x1C800]  }
.LBB2_18:
0xa7: {  	p0 =	sne.s32 s14, $0x37C0;
	v1 =	vld [tilespmem:s13+$0x1D600];
	_ =	sdelay $0x1  }
0xa8: {  	v2 =	vld [tilespmem:s13+$0x1E400];
	_ =	sdelay $0x2  }
.Ltmp10:
0xa9: {  	v0 =	vadd.f32 v1, v0;
	(pc) =	sbr.rel @p0 .LBB2_18-.Ltmp10, $4  }
0xaa: {  	_ = 	snop  }
0xab: {  	v1 =	vmul.f32 v0, v2  }
0xac: {  	s15 =	sshra.s32 s14, $0x2  }
0xad: {  	s14 =	sadd.s32 $0x40, s14;
	v0 =	vld [tilespmem:s15+$0x1C800];
	[tilespmem:s13+$0x1D600] =	vst v1;
	s13 =	smov.u32 s15  }
0xae: {  	v1 =	vld [tilespmem:s13+$0x1D600];
	_ =	sdelay $0x1  }
0xaf: {  	v2 =	vld [tilespmem:s13+$0x1E400];
	_ =	sdelay $0x2  }
0xb0: {  	v0 =	vadd.f32 v1, v0;
	_ =	sdelay $0x1  }
0xb1: {  	v0 =	vmul.f32 v0, v2;
	_ =	sdelay $0x1  }
0xb2: {  	[tilespmem:s13+$0x1D600] =	vst v0  }
0xb3: {  	[spmem:s26] =	stream.linear.scatter [tilespmem:s1], [sflag:$0xA], $0xE00, $0x38;
	[tilespmem:$0x1F300] =	vst v63  }
0xb4: {  	_ =	swait.ge [sflag:s19], $0xE00  }
0xb5: {  	[sflag:s19] =	ssyncset.done $0x0  }
0xb6: {  	s5 =	sadd.s32 s9, s5;
	[sflag:s19] =	ssyncadd.s32 $0xFFFFF200  }
0xb7: {  	[tilespmem:s0], [sflag:$0xA] =	stream.linear.gather [hbm4b:s5+s17], $0xE00, $0x38;
	[tilespmem:$0x1F300] =	vst v63  }
0xb8: {  	s24 =	sadd.s32 $0x1, s24;
	_ =	swait.ge [sflag:s19], $0xE00  }
0xb9: {  	p0 =	sne.s32 s24, $0xE;
	[sflag:s19] =	ssyncset.done $0x0  }
.Ltmp11:
0xba: {  	[sflag:s19] =	ssyncadd.s32 $0xFFFFF200;
	(pc) =	sbr.rel @p0 .LBB2_17-.Ltmp11, $4  }
0xbb: {  	[spmem:s25] =	stream.linear.scatter [tilespmem:s0], [sflag:$0xA], $0xE00, $0x38;
	[tilespmem:$0x1F300] =	vst v63  }
0xbc: {  	_ =	swait.ge [sflag:s19], $0xE00  }
0xbd: {  	[sflag:s19] =	ssyncset.done $0x0  }
0xbe: {  	[sflag:s19] =	ssyncadd.s32 $0xFFFFF200  }
0xbf: {  	s21 =	sadd.s32 $0x1, s21  }
0xc0: {  	p0 =	sne.s32 s21, $0xA  }
.Ltmp12:
0xc1: {  	_ = 	snop;
	(pc) =	sbr.rel @p0 .LBB2_3-.Ltmp12, $2  }
0xc2: {  	_ =	sdelay $0x1  }
0xc3: {  	[bflag:$0x0] =	sbarrier.arrive $0xFFFF;
	_ =	sdelay $0x1  }
0xc4: {  	s0 =	simm.s32 $0x0;
	s1 =	simm.s32 $0x1D600  }
0xc5: {  	s3 =	simm.s32 $0xA;
	s7 =	simm.s32 $0x1E400;
	s8 =	smov.u32 s6  }
0xc6: {  	s9 =	simm.s32 $0x0;
	s14 =	stileid.u32;
	s15 =	rddreg [dreg:$0x5]  }
.LBB2_22:
0xc7: {  	s5 =	smul.u32 $0xE0, s9;
	_ =	sdelay $0x1  }
0xc8: {  	s5 =	sadd.s32 s6, s5  }
0xc9: {  	s10 =	sshll.u32 s5, $0x4  }
0xca: {  	s10 =	sand.u32 $0x3FFFFFF0, s10  }
0xcb: {  	s10 =	sadd.s32 s10, s4  }
0xcc: {  	[tilespmem:s1], [sflag:$0xA] =	stream.linear.gather [spmem:s10], $0xE00, $0x38;
	[tilespmem:$0x1F300] =	vst v63  }
0xcd: {  	_ =	swait.ge [sflag:s3], $0xE00  }
0xce: {  	s5 =	sshll.u32 s5, $0x1;
	[sflag:s3] =	ssyncset.done $0x0  }
0xcf: {  	s5 =	sadd.s32 s15, s5;
	[sflag:s3] =	ssyncadd.s32 $0xFFFFF200  }
0xd0: {  	[tilespmem:s7], [sflag:$0xA] =	stream.linear.gather [hbm4b:s5+s0], $0xE00, $0x38;
	[tilespmem:$0x1F300] =	vst v63  }
0xd1: {  	_ =	swait.ge [sflag:s3], $0xE00  }
0xd2: {  	s12 =	smulhi.u32 $0xD1B71759, s8;
	s11 =	simm.s32 $0x0;
	[sflag:s3] =	ssyncset.done $0x0  }
0xd3: {  	s10 =	smov.u32 s8;
	s5 =	simm.s32 $0x40;
	[sflag:s3] =	ssyncadd.s32 $0xFFFFF200  }
.LBB2_23:
0xd4: {  	p0 =	sne.s32 s5, $0x37C0;
	v0 =	vld [tilespmem:s11+$0x1D600]  }
0xd5: {  	s12 =	sshrl.u32 s12, $0x9;
	v1 =	vld [tilespmem:s11+$0x1E400]  }
0xd6: {  	s13 =	sand.u32 $0x7FFFF0, s12  }
0xd7: {  	v2 =	vld [tilespmem:s13+$0x1F200];
	_ =	sdelay $0x2  }
.Ltmp13:
0xd8: {  	v0 =	vmul.f32 v1, v0;
	(pc) =	sbr.rel @p0 .LBB2_23-.Ltmp13, $4  }
0xd9: {  	_ = 	snop  }
0xda: {  	v0 =	vadd.f32 v0, v2  }
0xdb: {  	s10 =	sadd.s32 $0x1, s10  }
0xdc: {  	s11 =	sshra.s32 s5, $0x2;
	s5 =	sadd.s32 $0x40, s5;
	s12 =	smulhi.u32 $0xD1B71759, s10;
	[tilespmem:s13+$0x1F200] =	vst v0  }
0xdd: {  	v0 =	vld [tilespmem:s11+$0x1D600]  }
0xde: {  	v1 =	vld [tilespmem:s11+$0x1E400];
	s5 =	sshrl.u32 s12, $0x9  }
0xdf: {  	s5 =	sand.u32 $0x7FFFF0, s5  }
0xe0: {  	v2 =	vld [tilespmem:s5+$0x1F200]  }
0xe1: {  	s9 =	sadd.s32 $0x1, s9  }
0xe2: {  	p0 =	sne.s32 s9, $0xE  }
.Ltmp14:
0xe3: {  	v0 =	vmul.f32 v1, v0;
	(pc) =	sbr.rel @p0 .LBB2_22-.Ltmp14, $3  }
0xe4: {  	_ = 	snop  }
0xe5: {  	v0 =	vadd.f32 v0, v2;
	_ =	sdelay $0x1  }
0xe6: {  	s8 =	sadd.s32 $0xE0, s8;
	[tilespmem:s5+$0x1F200] =	vst v0  }
0xe7: {  	s0 =	sshll.u32 s14, $0x4  }
0xe8: {  	s3 =	simm.s32 $0x1F200;
	s1 =	sadd.s32 s2, s0;
	s0 =	simm.s32 $0x0  }
0xe9: {  	[hbm4b:s1+s0] =	stream.linear.scatter [tilespmem:s3], [sflag:$0xA], $0x80, $0x38;
	[tilespmem:$0x1F300] =	vst v63  }
0xea: {  	s1 =	simm.s32 $0xA  }
0xeb: {  	_ =	swait.ge [sflag:s1], $0x80  }
0xec: {  	[sflag:s1] =	ssyncset.done $0x0  }
0xed: {  	[sflag:s1] =	ssyncadd.s32 $0xFFFFFF80  }
0xee: {  	p0 =	sne.s32 s14, $0x0;
	[bflag:$0x0] =	sbarrier.arrive $0xFFFF  }
0xef: {  	_ =	sfence.sel @p0 $0x180000  }
0xf0: {  	[bflag:$0x0] =	sbarrier.arrive @p0 $0xFFFF  }
0xf1: {  	_ =	strace @p0 $0x9000004A  }
0xf2: {  	[bflag:$0x2] =	sbarrier.arrive @p0 $0xFFFF  }
0xf3: {  	_ =	shalt @p0  }
.LBB2_26:
0xf4: {  	s3 =	simm.s32 $0x1F280;
	s4 =	sadd.s32 $0x10, s2  }
0xf5: {  	[tilespmem:s3], [sflag:$0xA] =	stream.linear.gather [hbm4b:s4+s0], $0x80, $0x38;
	[tilespmem:$0x1F300] =	vst v63  }
0xf6: {  	_ =	swait.ge [sflag:s1], $0x80  }
0xf7: {  	[sflag:s1] =	ssyncset.done $0x0  }
0xf8: {  	[sflag:s1] =	ssyncadd.s32 $0xFFFFFF80  }
0xf9: {  	v3 =	vld [tilespmem:$0x1F2F0]  }
0xfa: {  	v2 =	vld [tilespmem:$0x1F2E0]  }
0xfb: {  	v0 =	vld [tilespmem:$0x1F2D0]  }
0xfc: {  	v5 =	vld [tilespmem:$0x1F2B0]  }
0xfd: {  	v4 =	vld [tilespmem:$0x1F2A0]  }
0xfe: {  	s4 =	simm.s32 $0x20;
	v1 =	vld [tilespmem:$0x1F2C0]  }
.LBB2_27:
0xff: {  	p0 =	sne.s32 s4, $0xF0;
	v6 =	vld [tilespmem:$0x1F290];
	s5 =	smov.u32 s4;
	s4 =	sadd.s32 $0x10, s4  }
0x100: {  	v7 =	vld [tilespmem:$0x1F280]  }
0x101: {  	v8 =	vld [tilespmem:$0x1F230]  }
0x102: {  	v9 =	vld [tilespmem:$0x1F220]  }
0x103: {  	v10 =	vld [tilespmem:$0x1F270]  }
0x104: {  	v11 =	vld [tilespmem:$0x1F210]  }
0x105: {  	v12 =	vld [tilespmem:$0x1F260]  }
0x106: {  	v5 =	vadd.f32 v5, v8;
	v8 =	vld [tilespmem:$0x1F250]  }
0x107: {  	v13 =	vld [tilespmem:$0x1F200];
	v4 =	vadd.f32 v4, v9  }
0x108: {  	[tilespmem:$0x1F230] =	vst v5;
	v5 =	vld [tilespmem:$0x1F240];
	v3 =	vadd.f32 v3, v10  }
0x109: {  	v6 =	vadd.f32 v6, v11;
	[tilespmem:$0x1F220] =	vst v4  }
0x10a: {  	v2 =	vadd.f32 v2, v12;
	[tilespmem:$0x1F270] =	vst v3  }
0x10b: {  	[tilespmem:$0x1F210] =	vst v6;
	v0 =	vadd.f32 v0, v8  }
0x10c: {  	v3 =	vadd.f32 v7, v13;
	[tilespmem:$0x1F260] =	vst v2  }
0x10d: {  	v1 =	vadd.f32 v1, v5;
	[tilespmem:$0x1F250] =	vst v0  }
0x10e: {  	s5 =	sadd.s32 s5, s2;
	[tilespmem:$0x1F200] =	vst v3  }
0x10f: {  	[tilespmem:$0x1F240] =	vst v1  }
0x110: {  	[tilespmem:s3], [sflag:$0xA] =	stream.linear.gather [hbm4b:s5+s0], $0x80, $0x38;
	[tilespmem:$0x1F300] =	vst v63  }
0x111: {  	_ =	swait.ge [sflag:s1], $0x80  }
0x112: {  	[sflag:s1] =	ssyncset.done $0x0  }
0x113: {  	[sflag:s1] =	ssyncadd.s32 $0xFFFFFF80  }
0x114: {  	v3 =	vld [tilespmem:$0x1F2F0]  }
.Ltmp15:
0x115: {  	v2 =	vld [tilespmem:$0x1F2E0];
	(pc) =	sbr.rel @p0 .LBB2_27-.Ltmp15, $4  }
0x116: {  	v0 =	vld [tilespmem:$0x1F2D0]  }
0x117: {  	v5 =	vld [tilespmem:$0x1F2B0]  }
0x118: {  	v4 =	vld [tilespmem:$0x1F2A0]  }
0x119: {  	v1 =	vld [tilespmem:$0x1F2C0]  }
0x11a: {  	v6 =	vld [tilespmem:$0x1F290]  }
0x11b: {  	v7 =	vld [tilespmem:$0x1F280]  }
0x11c: {  	v8 =	vld [tilespmem:$0x1F230]  }
0x11d: {  	v9 =	vld [tilespmem:$0x1F220]  }
0x11e: {  	v10 =	vld [tilespmem:$0x1F270]  }
0x11f: {  	v11 =	vld [tilespmem:$0x1F210]  }
0x120: {  	v12 =	vld [tilespmem:$0x1F260]  }
0x121: {  	v61 =	vld [tilespmem:$0x1F250];
	v5 =	vadd.f32 v5, v8  }
0x122: {  	v13 =	vld [tilespmem:$0x1F200];
	v4 =	vadd.f32 v4, v9  }
0x123: {  	v62 =	vld [tilespmem:$0x1F240];
	v3 =	vadd.f32 v3, v10;
	[tilespmem:$0x1F230] =	vst v5  }
0x124: {  	v6 =	vadd.f32 v6, v11;
	[tilespmem:$0x1F220] =	vst v4  }
0x125: {  	v2 =	vadd.f32 v2, v12;
	[tilespmem:$0x1F270] =	vst v3  }
0x126: {  	v0 =	vadd.f32 v0, v61;
	[tilespmem:$0x1F210] =	vst v6  }
0x127: {  	v63 =	vadd.f32 v7, v13;
	[tilespmem:$0x1F260] =	vst v2  }
0x128: {  	v1 =	vadd.f32 v1, v62;
	[tilespmem:$0x1F250] =	vst v0  }
0x129: {  	s0 =	simm.s32 $0x0;
	[tilespmem:$0x1F200] =	vst v63  }
0x12a: {  	s1 =	simm.s32 $0x1F200;
	s2 =	rddreg [dreg:$0x4];
	s30 =	simm.s32 $0xA;
	[tilespmem:$0x1F240] =	vst v1  }
0x12b: {  	[hbm4b:s2+s0] =	stream.linear.scatter [tilespmem:s1], [sflag:$0xA], $0x50, $0x38;
	[tilespmem:$0x1F300] =	vst v63  }
0x12c: {  	_ =	swait.ge [sflag:s30], $0x50  }
0x12d: {  	[sflag:s30] =	ssyncset.done $0x0  }
0x12e: {  	[sflag:s30] =	ssyncadd.s32 $0xFFFFFFB0  }
0x12f: {  	_ =	sfence.sel $0x180000  }
0x130: {  	[bflag:$0x0] =	sbarrier.arrive $0xFFFF  }
0x131: {  	_ =	strace $0x9000004A  }
0x132: {  	[bflag:$0x2] =	sbarrier.arrive $0xFFFF  }
0x133: {  	s31 =	rddreg [dreg:$0x3]  }
0x134: {  	s0 =	sadd.s32 $0x100000, s31  }
0x135: {  	[sflag:s0] =	ssyncadd.tile.s32 $0x1;
	_ =	shalt  }
.Lfunc_end2:
_tile_overlayer_lowered:
.L_overlay_start_2:
0x136: {  	(tag) =	ssettag $0x2  }
0x137: {  	s0 =	rddreg [dreg:$0x0];
	s2 =	stileid.u32  }
0x138: {  	s1 =	rddreg [dreg:$0x1];
	p0 =	sne.s32 s2, $0x0  }
0x139: {  	s3 =	rddreg [dreg:$0x2];
	[bflag:$0x3] =	sbarrier.arrive $0xFFFF;
	s2 =	simm.s32 @!p0 $0x1C0A  }
0x13a: {  	[timem:s3], [sflag:s2] =	dma.local @!p0 [hbm:s0], s1  }
0x13b: {  	s0 =	simm.s32 @!p0 $0xA  }
0x13c: {  	_ =	swait.ge @!p0 [sflag:s0], s1  }
0x13d: {  	s1 =	ssub.s32 @!p0 $0x0, s1;
	[sflag:s0] =	ssyncset.done @!p0 $0x0  }
0x13e: {  	[sflag:s0] =	ssyncadd.s32 @!p0 s1  }
0x13f: {  	[bflag:$0x3] =	sbarrier.arrive $0xFFFF  }
0x140: {  	_ =	shalt  }

</sc_bundles>
